<compile_context>
chip_gen: v7x
topology: tpu7x:2x2x1
jax: 0.10.2.dev20260603
libtpu: 0.0.44.dev20260713+nightly
codegen_flags: <defaults>
</compile_context>

<pallas_src>
import functools

import jax
import jax.numpy as jnp
from jax import lax
from jax.experimental import pallas as pl
from jax.experimental.pallas import tpu as pltpu
from jax.experimental.pallas import tpu_sc as plsc

_NC = 2
_NS = 16
_NW = _NC * _NS
_CH = 128
_PTB = 50
_NBUF = 2
_TOTB = _NW * _PTB * _CH

_R = 80


def _dot_t(a, w):
    return lax.dot_general(
        a, w, (((1,), (1,)), ((), ())), preferred_element_type=jnp.float32
    )


def _node_body(x_ref, wn_ref, bn_ref, wt_ref, bt_ref, ux_ref, vx_ref):
    xb = x_ref[...]
    ux_ref[...] = _dot_t(xb, wn_ref[...]) + bn_ref[...]
    vx_ref[...] = _dot_t(xb, wt_ref[...]) + bt_ref[...]


def _node_embeddings(x2, wn_t, bn, wt_t, bt):
    bn_rows, h = x2.shape
    blk = 2000 if bn_rows % 2000 == 0 else bn_rows
    grid = bn_rows // blk
    return pl.pallas_call(
        _node_body,
        grid=(grid,),
        in_specs=[
            pl.BlockSpec((blk, h), lambda i: (i, 0)),
            pl.BlockSpec((h, h), lambda i: (0, 0)),
            pl.BlockSpec((1, h), lambda i: (0, 0)),
            pl.BlockSpec((h, h), lambda i: (0, 0)),
            pl.BlockSpec((1, h), lambda i: (0, 0)),
        ],
        out_specs=[
            pl.BlockSpec((blk, h), lambda i: (i, 0)),
            pl.BlockSpec((blk, h), lambda i: (i, 0)),
        ],
        out_shape=[
            jax.ShapeDtypeStruct((bn_rows, h), jnp.float32),
            jax.ShapeDtypeStruct((bn_rows, h), jnp.float32),
        ],
    )(x2, wn_t, bn, wt_t, bt)


def _sc_gather(tables, idx3):
    nb, rows_t, h = tables.shape
    stage = (rows_t // _NS) // 8 * 8
    rem = rows_t - stage * _NS
    mesh = plsc.VectorSubcoreMesh(
        core_axis_name="c", subcore_axis_name="s", num_cores=_NC, num_subcores=_NS
    )

    @functools.partial(
        pl.kernel,
        out_type=jax.ShapeDtypeStruct((nb * _TOTB, h), jnp.float32),
        mesh=mesh,
        scratch_types=[
            pltpu.VMEM((nb * _PTB, _CH), jnp.int32),
            pltpu.VMEM((_NBUF, _CH, h), jnp.float32),
            pltpu.VMEM_SHARED((rows_t, h), jnp.float32),
            pltpu.SemaphoreType.DMA((_NBUF,)),
            pltpu.SemaphoreType.DMA((_NBUF,)),
        ],
    )
    def gather_k(tab_hbm, idx_hbm, out_hbm, idx_v, rows_v, tab_sh, gsem, ssem):
        cid = lax.axis_index("c")
        sid = lax.axis_index("s")
        wid = sid * _NC + cid

        pltpu.sync_copy(idx_hbm.at[wid], idx_v)

        n_groups = _PTB // _NBUF

        for phase in range(nb):
            pltpu.sync_copy(
                tab_hbm.at[phase, pl.ds(sid * stage, stage)],
                tab_sh.at[pl.ds(sid * stage, stage)],
            )
            if rem:

                @pl.when(sid == _NS - 1)
                def _():
                    pltpu.sync_copy(
                        tab_hbm.at[phase, pl.ds(stage * _NS, rem)],
                        tab_sh.at[pl.ds(stage * _NS, rem)],
                    )

            plsc.subcore_barrier()

            chunk0 = phase * _NW * _PTB + wid * _PTB

            def body(g, carry):
                m0 = g * _NBUF
                for u in range(_NBUF):
                    pltpu.async_copy(
                        tab_sh.at[idx_v.at[phase * _PTB + m0 + u]],
                        rows_v.at[u],
                        gsem.at[u],
                    )
                for u in range(_NBUF):
                    pltpu.make_async_copy(
                        tab_sh.at[idx_v.at[phase * _PTB + m0 + u]],
                        rows_v.at[u],
                        gsem.at[u],
                    ).wait()
                    pltpu.async_copy(
                        rows_v.at[u],
                        out_hbm.at[pl.ds((chunk0 + m0 + u) * _CH, _CH)],
                        ssem.at[u],
                    )
                for u in range(_NBUF):
                    pltpu.make_async_copy(
                        rows_v.at[u],
                        out_hbm.at[pl.ds((chunk0 + m0 + u) * _CH, _CH)],
                        ssem.at[u],
                    ).wait()
                return carry

            lax.fori_loop(0, n_groups, body, 0)
            plsc.subcore_barrier()

    return gather_k(tables, idx3)


def _make_edge_body(k):
    rb = _R * k

    def _edge_body(e_ref, vxg_ref, ux_ref, we_ref, be_ref, out_ref):
        ve = _dot_t(e_ref[...], we_ref[...]) + be_ref[...]
        ex = jnp.exp(ve)
        exv = (ex * vxg_ref[...]).astype(jnp.bfloat16)
        both = jnp.concatenate([ex.astype(jnp.bfloat16), exv], axis=1)
        row = lax.broadcasted_iota(jnp.int32, (_R, rb), 0)
        col = lax.broadcasted_iota(jnp.int32, (_R, rb), 1)
        st = ((col >= row * k) & (col < (row + 1) * k)).astype(jnp.bfloat16)
        sums = jnp.dot(st, both, preferred_element_type=jnp.float32)
        h = out_ref.shape[1]
        out_ref[...] = ux_ref[...] + sums[:, h:] / sums[:, :h]

    return _edge_body


def _edge_pass(e2, vxg, ux, we, be, n, k):
    rows, h = e2.shape
    rb = _R * k
    grid = rows // rb
    bpb = n // _R
    pad_blk = (_TOTB - n * k) // rb

    return pl.pallas_call(
        _make_edge_body(k),
        grid=(grid,),
        in_specs=[
            pl.BlockSpec((rb, h), lambda i: (i, 0)),
            pl.BlockSpec((rb, h), lambda i: (i + (i // bpb) * pad_blk, 0)),
            pl.BlockSpec((_R, h), lambda i: (i, 0)),
            pl.BlockSpec((h, h), lambda i: (0, 0)),
            pl.BlockSpec((1, h), lambda i: (0, 0)),
        ],
        out_specs=pl.BlockSpec((_R, h), lambda i: (i, 0)),
        out_shape=jax.ShapeDtypeStruct((rows // k, h), jnp.float32),
    )(e2, vxg, ux, we, be)


def kernel(x, e, edge_index, W_node, b_node, W_to, b_to, W_edge, b_edge):
    b, n, h = x.shape
    nk = e.shape[1]
    k = nk // n

    x2 = x.reshape(b * n, h)
    e2 = e.reshape(b * nk, h)

    ux, vx = _node_embeddings(x2, W_node, b_node[None], W_to, b_to[None])
    tables = vx.reshape(b, n, h)

    idx3 = jnp.concatenate(
        [
            jnp.pad(edge_index[bi].astype(jnp.int32), (0, _TOTB - nk)).reshape(
                _NW, _PTB, _CH
            )
            for bi in range(b)
        ],
        axis=1,
    )

    vxg = _sc_gather(tables, idx3)
    out2 = _edge_pass(e2, vxg, ux, W_edge, b_edge[None], n, k)
    return out2.reshape(b, n, h)

# --- scband reference (transcript-rebuilt; emitter-appended) ---
"""Pipeline reference for scband-node-features-40321152975475 (READ-ONLY COPY).

The authoritative reference and input builder live on the scoring server;
editing this copy changes nothing except your own understanding.
"""

import jax, jax.numpy as jnp
import numpy as np

B, N, H, K = 2, 10000, 128, 20


def _linear_params(key, h):
    k1, k2 = jax.random.split(key)
    s = 1.0 / np.sqrt(h)
    W = jax.random.uniform(k1, (h, h), minval=-s, maxval=s, dtype=jnp.float32)
    b = jax.random.uniform(k2, (h,), minval=-s, maxval=s, dtype=jnp.float32)
    return W, b


def setup_inputs(seed: int = 0) -> dict:
    key = jax.random.key(seed)
    ks = jax.random.split(key, 6)
    x = jax.random.normal(ks[0], (B, N, H), dtype=jnp.float32)
    e = jax.random.normal(ks[1], (B, N * K, H), dtype=jnp.float32)
    edge_index = jax.random.randint(ks[2], (B, N * K), 0, N, dtype=jnp.int64 if jax.config.jax_enable_x64 else jnp.int32)
    W_node, b_node = _linear_params(ks[3], H)
    W_to, b_to = _linear_params(ks[4], H)
    W_edge, b_edge = _linear_params(ks[5], H)
    return {
        "x": x,
        "e": e,
        "edge_index": edge_index,
        "W_node": W_node,
        "b_node": b_node,
        "W_to": W_to,
        "b_to": b_to,
        "W_edge": W_edge,
        "b_edge": b_edge,
    }


def reference(x, e, edge_index, W_node, b_node, W_to, b_to, W_edge, b_edge):
    batch_size, nodes_num, hidden_dim = x.shape
    sparse_factor = e.shape[1] // nodes_num
    # Ux = node_embedding(x); Vx = to_embedding(x); Ve = edge_embedding(e)
    Ux = x @ W_node.T + b_node
    Vx = x @ W_to.T + b_to
    Ve = e @ W_edge.T + b_edge
    # softmax over the sparse_factor (neighbor) axis
    Ve = jax.nn.softmax(
        Ve.reshape(batch_size, nodes_num, sparse_factor, hidden_dim), axis=2
    ).reshape(batch_size, nodes_num * sparse_factor, hidden_dim)
    # batched gather: Vx[arange(B)[:, None], edge_index]
    Vx_gathered = jax.vmap(lambda v, idx: jnp.take(v, idx, axis=0))(Vx, edge_index)
    to = Ve * Vx_gathered
    to = to.reshape(batch_size, nodes_num, sparse_factor, hidden_dim).sum(axis=2)
    x_new = Ux + to
    return x_new

if __name__ == "__main__":
    import jax
    _d = setup_inputs()
    print(jax.jit(kernel)(*tuple(_d.values())))

</pallas_src>

<mosaic_0001>
#map = affine_map<(d0, d1) -> (0, 0, 0)>
#map1 = affine_map<(d0, d1) -> (0, 0)>
module attributes {stable_mosaic.version = 14 : i64} {
  func.func @gather_k(%arg0: i32, %arg1: i32, %arg2: memref<2x10000x128xf32, #tpu.memory_space<hbm>>, %arg3: memref<32x100x128xi32, #tpu.memory_space<hbm>>, %arg4: memref<409600x128xf32, #tpu.memory_space<hbm>>, %arg5: memref<100x128xi32, #tpu.memory_space<vmem>>, %arg6: memref<2x128x128xf32, #tpu.memory_space<vmem>>, %arg7: memref<10000x128xf32, #tpu.memory_space<vmem_shared>>, %arg8: memref<2x!tpu.dma_semaphore, #tpu.memory_space<semaphore_mem>>, %arg9: memref<2x!tpu.dma_semaphore, #tpu.memory_space<semaphore_mem>>) attributes {dimension_semantics = [#tpu.dimension_semantics<core_parallel>, #tpu.dimension_semantics<subcore_parallel>], iteration_bounds = array<i64: 2, 16>, scalar_prefetch = 0 : i64, scratch_operands = 5 : i64, tpu.core_type = #tpu.core_type<sc_vector_subcore>, window_params = [{transform_indices = #map}, {transform_indices = #map}, {transform_indices = #map1}]} {
    %mul3A = arith.constant 2 : i32
    %mul3A_0 = arith.muli %arg1, %mul3A : i32
    %add3A = arith.addi %mul3A_0, %arg0 : i32
    "tpu.region"() ({
      %run_scoped3A_39 = tpu.sem_alloc : memref<!tpu.dma_semaphore, #tpu.memory_space<semaphore_mem>>
      %dma_start3A = arith.constant 0 : i32
      %dma_start3A_40 = arith.constant 0 : i32
      %dma_start3A_41 = tpu.memref_slice %arg3[%add3A, %dma_start3A, %dma_start3A_40] : memref<32x100x128xi32, #tpu.memory_space<hbm>> -> memref<1x100x128xi32, #tpu.memory_space<hbm>>
      %dma_start3A_42 = tpu.memref_squeeze %dma_start3A_41 : memref<1x100x128xi32, #tpu.memory_space<hbm>> -> memref<100x128xi32, #tpu.memory_space<hbm>>
      %dma_start3A_43 = arith.constant 0 : i32
      %dma_start3A_44 = arith.constant 0 : i32
      %dma_start3A_45 = tpu.memref_slice %arg3[%add3A, %dma_start3A_43, %dma_start3A_44] : memref<32x100x128xi32, #tpu.memory_space<hbm>> -> memref<1x100x128xi32, #tpu.memory_space<hbm>>
      %dma_start3A_46 = tpu.memref_squeeze %dma_start3A_45 : memref<1x100x128xi32, #tpu.memory_space<hbm>> -> memref<100x128xi32, #tpu.memory_space<hbm>>
      tpu.enqueue_dma source(%dma_start3A_46 : memref<100x128xi32, #tpu.memory_space<hbm>>) target(%arg5 : memref<100x128xi32, #tpu.memory_space<vmem>>) target_semaphore(%run_scoped3A_39 : memref<!tpu.dma_semaphore, #tpu.memory_space<semaphore_mem>>)
      %dma_wait3A = arith.constant 0 : i32
      %dma_wait3A_47 = arith.constant 0 : i32
      %dma_wait3A_48 = tpu.memref_slice %arg3[%add3A, %dma_wait3A, %dma_wait3A_47] : memref<32x100x128xi32, #tpu.memory_space<hbm>> -> memref<1x100x128xi32, #tpu.memory_space<hbm>>
      %dma_wait3A_49 = tpu.memref_squeeze %dma_wait3A_48 : memref<1x100x128xi32, #tpu.memory_space<hbm>> -> memref<100x128xi32, #tpu.memory_space<hbm>>
      %dma_wait3A_50 = arith.constant 0 : i32
      %dma_wait3A_51 = arith.constant 0 : i32
      %dma_wait3A_52 = tpu.memref_slice %arg3[%add3A, %dma_wait3A_50, %dma_wait3A_51] : memref<32x100x128xi32, #tpu.memory_space<hbm>> -> memref<1x100x128xi32, #tpu.memory_space<hbm>>
      %dma_wait3A_53 = tpu.memref_squeeze %dma_wait3A_52 : memref<1x100x128xi32, #tpu.memory_space<hbm>> -> memref<100x128xi32, #tpu.memory_space<hbm>>
      tpu.wait_dma2 semaphore(%run_scoped3A_39 : memref<!tpu.dma_semaphore, #tpu.memory_space<semaphore_mem>>) src(%dma_wait3A_53 : memref<100x128xi32, #tpu.memory_space<hbm>>) dst(%arg5 : memref<100x128xi32, #tpu.memory_space<vmem>>)
      tpu.yield
    }) : () -> ()
    %mul3A_1 = arith.constant 624 : i32
    %mul3A_2 = arith.muli %arg1, %mul3A_1 : i32
    %mul3A_3 = arith.constant 624 : i32
    %mul3A_4 = arith.muli %arg1, %mul3A_3 : i32
    %run_scoped3A = arith.constant 0 : i32
    "tpu.region"() ({
      %run_scoped3A_39 = tpu.sem_alloc : memref<!tpu.dma_semaphore, #tpu.memory_space<semaphore_mem>>
      %dma_start3A = arith.constant 0 : i32
      %dma_start3A_40 = tpu.memref_slice %arg7[%mul3A_4, %dma_start3A] : memref<10000x128xf32, #tpu.memory_space<vmem_shared>> -> memref<624x128xf32, #tpu.memory_space<vmem_shared>>
      %dma_start3A_41 = arith.constant 0 : i32
      %dma_start3A_42 = tpu.memref_slice %arg2[%run_scoped3A, %mul3A_2, %dma_start3A_41] : memref<2x10000x128xf32, #tpu.memory_space<hbm>> -> memref<1x624x128xf32, #tpu.memory_space<hbm>>
      %dma_start3A_43 = tpu.memref_squeeze %dma_start3A_42 : memref<1x624x128xf32, #tpu.memory_space<hbm>> -> memref<624x128xf32, #tpu.memory_space<hbm>>
      tpu.enqueue_dma source(%dma_start3A_43 : memref<624x128xf32, #tpu.memory_space<hbm>>) target(%dma_start3A_40 : memref<624x128xf32, #tpu.memory_space<vmem_shared>>) target_semaphore(%run_scoped3A_39 : memref<!tpu.dma_semaphore, #tpu.memory_space<semaphore_mem>>)
      %dma_wait3A = arith.constant 0 : i32
      %dma_wait3A_44 = tpu.memref_slice %arg7[%mul3A_4, %dma_wait3A] : memref<10000x128xf32, #tpu.memory_space<vmem_shared>> -> memref<624x128xf32, #tpu.memory_space<vmem_shared>>
      %dma_wait3A_45 = arith.constant 0 : i32
      %dma_wait3A_46 = tpu.memref_slice %arg2[%run_scoped3A, %mul3A_2, %dma_wait3A_45] : memref<2x10000x128xf32, #tpu.memory_space<hbm>> -> memref<1x624x128xf32, #tpu.memory_space<hbm>>
      %dma_wait3A_47 = tpu.memref_squeeze %dma_wait3A_46 : memref<1x624x128xf32, #tpu.memory_space<hbm>> -> memref<624x128xf32, #tpu.memory_space<hbm>>
      tpu.wait_dma2 semaphore(%run_scoped3A_39 : memref<!tpu.dma_semaphore, #tpu.memory_space<semaphore_mem>>) src(%dma_wait3A_47 : memref<624x128xf32, #tpu.memory_space<hbm>>) dst(%dma_wait3A_44 : memref<624x128xf32, #tpu.memory_space<vmem_shared>>)
      tpu.yield
    }) : () -> ()
    %eq3A = arith.constant 15 : i32
    %eq3A_5 = arith.cmpi eq, %arg1, %eq3A : i32
    %convert_element_type3A = arith.extui %eq3A_5 : i1 to i32
    %cond3A = arith.constant 0 : i32
    %cond3A_6 = arith.cmpi ne, %convert_element_type3A, %cond3A : i32
    scf.if %cond3A_6 {
      %run_scoped3A_39 = arith.constant 0 : i32
      "tpu.region"() ({
        %run_scoped3A_40 = tpu.sem_alloc : memref<!tpu.dma_semaphore, #tpu.memory_space<semaphore_mem>>
        %dma_start3A = arith.constant 9984 : i32
        %dma_start3A_41 = arith.constant 0 : i32
        %dma_start3A_42 = tpu.memref_slice %arg7[%dma_start3A, %dma_start3A_41] : memref<10000x128xf32, #tpu.memory_space<vmem_shared>> -> memref<16x128xf32, #tpu.memory_space<vmem_shared>>
        %dma_start3A_43 = arith.constant 9984 : i32
        %dma_start3A_44 = arith.constant 0 : i32
        %dma_start3A_45 = tpu.memref_slice %arg2[%run_scoped3A_39, %dma_start3A_43, %dma_start3A_44] : memref<2x10000x128xf32, #tpu.memory_space<hbm>> -> memref<1x16x128xf32, #tpu.memory_space<hbm>>
        %dma_start3A_46 = tpu.memref_squeeze %dma_start3A_45 : memref<1x16x128xf32, #tpu.memory_space<hbm>> -> memref<16x128xf32, #tpu.memory_space<hbm>>
        tpu.enqueue_dma source(%dma_start3A_46 : memref<16x128xf32, #tpu.memory_space<hbm>>) target(%dma_start3A_42 : memref<16x128xf32, #tpu.memory_space<vmem_shared>>) target_semaphore(%run_scoped3A_40 : memref<!tpu.dma_semaphore, #tpu.memory_space<semaphore_mem>>)
        %dma_wait3A = arith.constant 9984 : i32
        %dma_wait3A_47 = arith.constant 0 : i32
        %dma_wait3A_48 = tpu.memref_slice %arg7[%dma_wait3A, %dma_wait3A_47] : memref<10000x128xf32, #tpu.memory_space<vmem_shared>> -> memref<16x128xf32, #tpu.memory_space<vmem_shared>>
        %dma_wait3A_49 = arith.constant 9984 : i32
        %dma_wait3A_50 = arith.constant 0 : i32
        %dma_wait3A_51 = tpu.memref_slice %arg2[%run_scoped3A_39, %dma_wait3A_49, %dma_wait3A_50] : memref<2x10000x128xf32, #tpu.memory_space<hbm>> -> memref<1x16x128xf32, #tpu.memory_space<hbm>>
        %dma_wait3A_52 = tpu.memref_squeeze %dma_wait3A_51 : memref<1x16x128xf32, #tpu.memory_space<hbm>> -> memref<16x128xf32, #tpu.memory_space<hbm>>
        tpu.wait_dma2 semaphore(%run_scoped3A_40 : memref<!tpu.dma_semaphore, #tpu.memory_space<semaphore_mem>>) src(%dma_wait3A_52 : memref<16x128xf32, #tpu.memory_space<hbm>>) dst(%dma_wait3A_48 : memref<16x128xf32, #tpu.memory_space<vmem_shared>>)
        tpu.yield
      }) : () -> ()
    } else {
    }
    %barrier3A = arith.constant 0 : index
    tpu.barrier barrier_id(%barrier3A)
    %mul3A_7 = arith.constant 50 : i32
    %mul3A_8 = arith.muli %add3A, %mul3A_7 : i32
    %add3A_9 = arith.constant 0 : i32
    %add3A_10 = arith.addi %add3A_9, %mul3A_8 : i32
    %scan3A = arith.constant 0 : i32
    %scan3A_11 = arith.constant 0 : i32
    %scan3A_12 = arith.constant 25 : i32
    %scan3A_13 = arith.addi %scan3A_11, %scan3A_12 : i32
    %scan3A_14 = arith.constant 1 : i32
    scf.for %scan3A_39 = %scan3A_11 to %scan3A_13 step %scan3A_14  : i32 {
      %mul3A_40 = arith.constant 2 : i32
      %mul3A_41 = arith.muli %scan3A_39, %mul3A_40 : i32
      %add3A_42 = arith.constant 0 : i32
      %add3A_43 = arith.addi %add3A_42, %mul3A_41 : i32
      %add3A_44 = arith.constant 0 : i32
      %add3A_45 = arith.addi %add3A_43, %add3A_44 : i32
      %dma_start3A = arith.constant 0 : i32
      %dma_start3A_46 = arith.constant 0 : i32
      %dma_start3A_47 = arith.constant 0 : i32
      %dma_start3A_48 = arith.constant 0 : i32
      %dma_start3A_49 = tpu.memref_slice %arg6[%dma_start3A, %dma_start3A_47, %dma_start3A_48] : memref<2x128x128xf32, #tpu.memory_space<vmem>> -> memref<1x128x128xf32, #tpu.memory_space<vmem>>
      %dma_start3A_50 = tpu.memref_squeeze %dma_start3A_49 : memref<1x128x128xf32, #tpu.memory_space<vmem>> -> memref<128x128xf32, #tpu.memory_space<vmem>>
      %dma_start3A_51 = arith.constant 0 : i32
      %dma_start3A_52 = tpu.memref_slice %arg5[%add3A_45, %dma_start3A_51] : memref<100x128xi32, #tpu.memory_space<vmem>> -> memref<1x128xi32, #tpu.memory_space<vmem>>
      %dma_start3A_53 = tpu.memref_squeeze %dma_start3A_52 : memref<1x128xi32, #tpu.memory_space<vmem>> -> memref<128xi32, #tpu.memory_space<vmem>>
      %dma_start3A_54 = arith.constant 0 : i32
      %dma_start3A_55 = arith.constant 0 : i32
      %dma_start3A_56 = tpu.memref_slice %arg7[%dma_start3A_54, %dma_start3A_55] : memref<10000x128xf32, #tpu.memory_space<vmem_shared>> -> memref<10000x128xf32, #tpu.memory_space<vmem_shared>>
      %dma_start3A_57 = tpu.memref_slice %arg8[%dma_start3A_46] : memref<2x!tpu.dma_semaphore, #tpu.memory_space<semaphore_mem>> -> memref<1x!tpu.dma_semaphore, #tpu.memory_space<semaphore_mem>>
      %dma_start3A_58 = tpu.memref_squeeze %dma_start3A_57 : memref<1x!tpu.dma_semaphore, #tpu.memory_space<semaphore_mem>> -> memref<!tpu.dma_semaphore, #tpu.memory_space<semaphore_mem>>
      tpu.enqueue_indirect_dma source(%dma_start3A_56 : memref<10000x128xf32, #tpu.memory_space<vmem_shared>>) target(%dma_start3A_50 : memref<128x128xf32, #tpu.memory_space<vmem>>) offsets(%dma_start3A_53 : memref<128xi32, #tpu.memory_space<vmem>>) semaphore(%dma_start3A_58 : memref<!tpu.dma_semaphore, #tpu.memory_space<semaphore_mem>>)
      %add3A_59 = arith.constant 0 : i32
      %add3A_60 = arith.addi %add3A_59, %mul3A_41 : i32
      %add3A_61 = arith.constant 1 : i32
      %add3A_62 = arith.addi %add3A_60, %add3A_61 : i32
      %dma_start3A_63 = arith.constant 1 : i32
      %dma_start3A_64 = arith.constant 1 : i32
      %dma_start3A_65 = arith.constant 0 : i32
      %dma_start3A_66 = arith.constant 0 : i32
      %dma_start3A_67 = tpu.memref_slice %arg6[%dma_start3A_63, %dma_start3A_65, %dma_start3A_66] : memref<2x128x128xf32, #tpu.memory_space<vmem>> -> memref<1x128x128xf32, #tpu.memory_space<vmem>>
      %dma_start3A_68 = tpu.memref_squeeze %dma_start3A_67 : memref<1x128x128xf32, #tpu.memory_space<vmem>> -> memref<128x128xf32, #tpu.memory_space<vmem>>
      %dma_start3A_69 = arith.constant 0 : i32
      %dma_start3A_70 = tpu.memref_slice %arg5[%add3A_62, %dma_start3A_69] : memref<100x128xi32, #tpu.memory_space<vmem>> -> memref<1x128xi32, #tpu.memory_space<vmem>>
      %dma_start3A_71 = tpu.memref_squeeze %dma_start3A_70 : memref<1x128xi32, #tpu.memory_space<vmem>> -> memref<128xi32, #tpu.memory_space<vmem>>
      %dma_start3A_72 = arith.constant 0 : i32
      %dma_start3A_73 = arith.constant 0 : i32
      %dma_start3A_74 = tpu.memref_slice %arg7[%dma_start3A_72, %dma_start3A_73] : memref<10000x128xf32, #tpu.memory_space<vmem_shared>> -> memref<10000x128xf32, #tpu.memory_space<vmem_shared>>
      %dma_start3A_75 = tpu.memref_slice %arg8[%dma_start3A_64] : memref<2x!tpu.dma_semaphore, #tpu.memory_space<semaphore_mem>> -> memref<1x!tpu.dma_semaphore, #tpu.memory_space<semaphore_mem>>
      %dma_start3A_76 = tpu.memref_squeeze %dma_start3A_75 : memref<1x!tpu.dma_semaphore, #tpu.memory_space<semaphore_mem>> -> memref<!tpu.dma_semaphore, #tpu.memory_space<semaphore_mem>>
      tpu.enqueue_indirect_dma source(%dma_start3A_74 : memref<10000x128xf32, #tpu.memory_space<vmem_shared>>) target(%dma_start3A_68 : memref<128x128xf32, #tpu.memory_space<vmem>>) offsets(%dma_start3A_71 : memref<128xi32, #tpu.memory_space<vmem>>) semaphore(%dma_start3A_76 : memref<!tpu.dma_semaphore, #tpu.memory_space<semaphore_mem>>)
      %add3A_77 = arith.constant 0 : i32
      %add3A_78 = arith.addi %add3A_77, %mul3A_41 : i32
      %add3A_79 = arith.constant 0 : i32
      %add3A_80 = arith.addi %add3A_78, %add3A_79 : i32
      %dma_wait3A = arith.constant 0 : i32
      %dma_wait3A_81 = arith.constant 0 : i32
      %dma_wait3A_82 = arith.constant 0 : i32
      %dma_wait3A_83 = arith.constant 0 : i32
      %dma_wait3A_84 = tpu.memref_slice %arg6[%dma_wait3A, %dma_wait3A_82, %dma_wait3A_83] : memref<2x128x128xf32, #tpu.memory_space<vmem>> -> memref<1x128x128xf32, #tpu.memory_space<vmem>>
      %dma_wait3A_85 = tpu.memref_squeeze %dma_wait3A_84 : memref<1x128x128xf32, #tpu.memory_space<vmem>> -> memref<128x128xf32, #tpu.memory_space<vmem>>
      %dma_wait3A_86 = arith.constant 0 : i32
      %dma_wait3A_87 = tpu.memref_slice %arg5[%add3A_80, %dma_wait3A_86] : memref<100x128xi32, #tpu.memory_space<vmem>> -> memref<1x128xi32, #tpu.memory_space<vmem>>
      %dma_wait3A_88 = tpu.memref_squeeze %dma_wait3A_87 : memref<1x128xi32, #tpu.memory_space<vmem>> -> memref<128xi32, #tpu.memory_space<vmem>>
      %dma_wait3A_89 = arith.constant 0 : i32
      %dma_wait3A_90 = arith.constant 0 : i32
      %dma_wait3A_91 = tpu.memref_slice %arg7[%dma_wait3A_89, %dma_wait3A_90] : memref<10000x128xf32, #tpu.memory_space<vmem_shared>> -> memref<10000x128xf32, #tpu.memory_space<vmem_shared>>
      %dma_wait3A_92 = tpu.memref_slice %arg8[%dma_wait3A_81] : memref<2x!tpu.dma_semaphore, #tpu.memory_space<semaphore_mem>> -> memref<1x!tpu.dma_semaphore, #tpu.memory_space<semaphore_mem>>
      %dma_wait3A_93 = tpu.memref_squeeze %dma_wait3A_92 : memref<1x!tpu.dma_semaphore, #tpu.memory_space<semaphore_mem>> -> memref<!tpu.dma_semaphore, #tpu.memory_space<semaphore_mem>>
      tpu.wait_indirect_dma semaphore(%dma_wait3A_93 : memref<!tpu.dma_semaphore, #tpu.memory_space<semaphore_mem>>) src(%dma_wait3A_91 : memref<10000x128xf32, #tpu.memory_space<vmem_shared>>) dst(%dma_wait3A_85 : memref<128x128xf32, #tpu.memory_space<vmem>>)
      %add3A_94 = arith.addi %add3A_10, %mul3A_41 : i32
      %add3A_95 = arith.constant 0 : i32
      %add3A_96 = arith.addi %add3A_94, %add3A_95 : i32
      %mul3A_97 = arith.constant 128 : i32
      %mul3A_98 = arith.muli %add3A_96, %mul3A_97 : i32
      %dma_start3A_99 = arith.constant 0 : i32
      %dma_start3A_100 = arith.constant 0 : i32
      %dma_start3A_101 = arith.constant 0 : i32
      %dma_start3A_102 = arith.constant 0 : i32
      %dma_start3A_103 = tpu.memref_slice %arg6[%dma_start3A_99, %dma_start3A_101, %dma_start3A_102] : memref<2x128x128xf32, #tpu.memory_space<vmem>> -> memref<1x128x128xf32, #tpu.memory_space<vmem>>
      %dma_start3A_104 = tpu.memref_squeeze %dma_start3A_103 : memref<1x128x128xf32, #tpu.memory_space<vmem>> -> memref<128x128xf32, #tpu.memory_space<vmem>>
      %dma_start3A_105 = arith.constant 0 : i32
      %dma_start3A_106 = tpu.memref_slice %arg4[%mul3A_98, %dma_start3A_105] : memref<409600x128xf32, #tpu.memory_space<hbm>> -> memref<128x128xf32, #tpu.memory_space<hbm>>
      %dma_start3A_107 = tpu.memref_slice %arg9[%dma_start3A_100] : memref<2x!tpu.dma_semaphore, #tpu.memory_space<semaphore_mem>> -> memref<1x!tpu.dma_semaphore, #tpu.memory_space<semaphore_mem>>
      %dma_start3A_108 = tpu.memref_squeeze %dma_start3A_107 : memref<1x!tpu.dma_semaphore, #tpu.memory_space<semaphore_mem>> -> memref<!tpu.dma_semaphore, #tpu.memory_space<semaphore_mem>>
      %dma_start3A_109 = arith.constant 0 : i32
      %dma_start3A_110 = tpu.memref_slice %arg4[%mul3A_98, %dma_start3A_109] : memref<409600x128xf32, #tpu.memory_space<hbm>> -> memref<128x128xf32, #tpu.memory_space<hbm>>
      %dma_start3A_111 = arith.constant 0 : i32
      %dma_start3A_112 = arith.constant 0 : i32
      %dma_start3A_113 = tpu.memref_slice %arg6[%dma_start3A_99, %dma_start3A_111, %dma_start3A_112] : memref<2x128x128xf32, #tpu.memory_space<vmem>> -> memref<1x128x128xf32, #tpu.memory_space<vmem>>
      %dma_start3A_114 = tpu.memref_squeeze %dma_start3A_113 : memref<1x128x128xf32, #tpu.memory_space<vmem>> -> memref<128x128xf32, #tpu.memory_space<vmem>>
      tpu.enqueue_dma source(%dma_start3A_114 : memref<128x128xf32, #tpu.memory_space<vmem>>) target(%dma_start3A_110 : memref<128x128xf32, #tpu.memory_space<hbm>>) target_semaphore(%dma_start3A_108 : memref<!tpu.dma_semaphore, #tpu.memory_space<semaphore_mem>>)
      %add3A_115 = arith.constant 0 : i32
      %add3A_116 = arith.addi %add3A_115, %mul3A_41 : i32
      %add3A_117 = arith.constant 1 : i32
      %add3A_118 = arith.addi %add3A_116, %add3A_117 : i32
      %dma_wait3A_119 = arith.constant 1 : i32
      %dma_wait3A_120 = arith.constant 1 : i32
      %dma_wait3A_121 = arith.constant 0 : i32
      %dma_wait3A_122 = arith.constant 0 : i32
      %dma_wait3A_123 = tpu.memref_slice %arg6[%dma_wait3A_119, %dma_wait3A_121, %dma_wait3A_122] : memref<2x128x128xf32, #tpu.memory_space<vmem>> -> memref<1x128x128xf32, #tpu.memory_space<vmem>>
      %dma_wait3A_124 = tpu.memref_squeeze %dma_wait3A_123 : memref<1x128x128xf32, #tpu.memory_space<vmem>> -> memref<128x128xf32, #tpu.memory_space<vmem>>
      %dma_wait3A_125 = arith.constant 0 : i32
      %dma_wait3A_126 = tpu.memref_slice %arg5[%add3A_118, %dma_wait3A_125] : memref<100x128xi32, #tpu.memory_space<vmem>> -> memref<1x128xi32, #tpu.memory_space<vmem>>
      %dma_wait3A_127 = tpu.memref_squeeze %dma_wait3A_126 : memref<1x128xi32, #tpu.memory_space<vmem>> -> memref<128xi32, #tpu.memory_space<vmem>>
      %dma_wait3A_128 = arith.constant 0 : i32
      %dma_wait3A_129 = arith.constant 0 : i32
      %dma_wait3A_130 = tpu.memref_slice %arg7[%dma_wait3A_128, %dma_wait3A_129] : memref<10000x128xf32, #tpu.memory_space<vmem_shared>> -> memref<10000x128xf32, #tpu.memory_space<vmem_shared>>
      %dma_wait3A_131 = tpu.memref_slice %arg8[%dma_wait3A_120] : memref<2x!tpu.dma_semaphore, #tpu.memory_space<semaphore_mem>> -> memref<1x!tpu.dma_semaphore, #tpu.memory_space<semaphore_mem>>
      %dma_wait3A_132 = tpu.memref_squeeze %dma_wait3A_131 : memref<1x!tpu.dma_semaphore, #tpu.memory_space<semaphore_mem>> -> memref<!tpu.dma_semaphore, #tpu.memory_space<semaphore_mem>>
      tpu.wait_indirect_dma semaphore(%dma_wait3A_132 : memref<!tpu.dma_semaphore, #tpu.memory_space<semaphore_mem>>) src(%dma_wait3A_130 : memref<10000x128xf32, #tpu.memory_space<vmem_shared>>) dst(%dma_wait3A_124 : memref<128x128xf32, #tpu.memory_space<vmem>>)
      %add3A_133 = arith.addi %add3A_10, %mul3A_41 : i32
      %add3A_134 = arith.constant 1 : i32
      %add3A_135 = arith.addi %add3A_133, %add3A_134 : i32
      %mul3A_136 = arith.constant 128 : i32
      %mul3A_137 = arith.muli %add3A_135, %mul3A_136 : i32
      %dma_start3A_138 = arith.constant 1 : i32
      %dma_start3A_139 = arith.constant 1 : i32
      %dma_start3A_140 = arith.constant 0 : i32
      %dma_start3A_141 = arith.constant 0 : i32
      %dma_start3A_142 = tpu.memref_slice %arg6[%dma_start3A_138, %dma_start3A_140, %dma_start3A_141] : memref<2x128x128xf32, #tpu.memory_space<vmem>> -> memref<1x128x128xf32, #tpu.memory_space<vmem>>
      %dma_start3A_143 = tpu.memref_squeeze %dma_start3A_142 : memref<1x128x128xf32, #tpu.memory_space<vmem>> -> memref<128x128xf32, #tpu.memory_space<vmem>>
      %dma_start3A_144 = arith.constant 0 : i32
      %dma_start3A_145 = tpu.memref_slice %arg4[%mul3A_137, %dma_start3A_144] : memref<409600x128xf32, #tpu.memory_space<hbm>> -> memref<128x128xf32, #tpu.memory_space<hbm>>
      %dma_start3A_146 = tpu.memref_slice %arg9[%dma_start3A_139] : memref<2x!tpu.dma_semaphore, #tpu.memory_space<semaphore_mem>> -> memref<1x!tpu.dma_semaphore, #tpu.memory_space<semaphore_mem>>
      %dma_start3A_147 = tpu.memref_squeeze %dma_start3A_146 : memref<1x!tpu.dma_semaphore, #tpu.memory_space<semaphore_mem>> -> memref<!tpu.dma_semaphore, #tpu.memory_space<semaphore_mem>>
      %dma_start3A_148 = arith.constant 0 : i32
      %dma_start3A_149 = tpu.memref_slice %arg4[%mul3A_137, %dma_start3A_148] : memref<409600x128xf32, #tpu.memory_space<hbm>> -> memref<128x128xf32, #tpu.memory_space<hbm>>
      %dma_start3A_150 = arith.constant 0 : i32
      %dma_start3A_151 = arith.constant 0 : i32
      %dma_start3A_152 = tpu.memref_slice %arg6[%dma_start3A_138, %dma_start3A_150, %dma_start3A_151] : memref<2x128x128xf32, #tpu.memory_space<vmem>> -> memref<1x128x128xf32, #tpu.memory_space<vmem>>
      %dma_start3A_153 = tpu.memref_squeeze %dma_start3A_152 : memref<1x128x128xf32, #tpu.memory_space<vmem>> -> memref<128x128xf32, #tpu.memory_space<vmem>>
      tpu.enqueue_dma source(%dma_start3A_153 : memref<128x128xf32, #tpu.memory_space<vmem>>) target(%dma_start3A_149 : memref<128x128xf32, #tpu.memory_space<hbm>>) target_semaphore(%dma_start3A_147 : memref<!tpu.dma_semaphore, #tpu.memory_space<semaphore_mem>>)
      %add3A_154 = arith.addi %add3A_10, %mul3A_41 : i32
      %add3A_155 = arith.constant 0 : i32
      %add3A_156 = arith.addi %add3A_154, %add3A_155 : i32
      %mul3A_157 = arith.constant 128 : i32
      %mul3A_158 = arith.muli %add3A_156, %mul3A_157 : i32
      %dma_wait3A_159 = arith.constant 0 : i32
      %dma_wait3A_160 = arith.constant 0 : i32
      %dma_wait3A_161 = arith.constant 0 : i32
      %dma_wait3A_162 = arith.constant 0 : i32
      %dma_wait3A_163 = tpu.memref_slice %arg6[%dma_wait3A_159, %dma_wait3A_161, %dma_wait3A_162] : memref<2x128x128xf32, #tpu.memory_space<vmem>> -> memref<1x128x128xf32, #tpu.memory_space<vmem>>
      %dma_wait3A_164 = tpu.memref_squeeze %dma_wait3A_163 : memref<1x128x128xf32, #tpu.memory_space<vmem>> -> memref<128x128xf32, #tpu.memory_space<vmem>>
      %dma_wait3A_165 = arith.constant 0 : i32
      %dma_wait3A_166 = tpu.memref_slice %arg4[%mul3A_158, %dma_wait3A_165] : memref<409600x128xf32, #tpu.memory_space<hbm>> -> memref<128x128xf32, #tpu.memory_space<hbm>>
      %dma_wait3A_167 = tpu.memref_slice %arg9[%dma_wait3A_160] : memref<2x!tpu.dma_semaphore, #tpu.memory_space<semaphore_mem>> -> memref<1x!tpu.dma_semaphore, #tpu.memory_space<semaphore_mem>>
      %dma_wait3A_168 = tpu.memref_squeeze %dma_wait3A_167 : memref<1x!tpu.dma_semaphore, #tpu.memory_space<semaphore_mem>> -> memref<!tpu.dma_semaphore, #tpu.memory_space<semaphore_mem>>
      %dma_wait3A_169 = arith.constant 0 : i32
      %dma_wait3A_170 = tpu.memref_slice %arg4[%mul3A_158, %dma_wait3A_169] : memref<409600x128xf32, #tpu.memory_space<hbm>> -> memref<128x128xf32, #tpu.memory_space<hbm>>
      %dma_wait3A_171 = arith.constant 0 : i32
      %dma_wait3A_172 = arith.constant 0 : i32
      %dma_wait3A_173 = tpu.memref_slice %arg6[%dma_wait3A_159, %dma_wait3A_171, %dma_wait3A_172] : memref<2x128x128xf32, #tpu.memory_space<vmem>> -> memref<1x128x128xf32, #tpu.memory_space<vmem>>
      %dma_wait3A_174 = tpu.memref_squeeze %dma_wait3A_173 : memref<1x128x128xf32, #tpu.memory_space<vmem>> -> memref<128x128xf32, #tpu.memory_space<vmem>>
      tpu.wait_dma2 semaphore(%dma_wait3A_168 : memref<!tpu.dma_semaphore, #tpu.memory_space<semaphore_mem>>) src(%dma_wait3A_174 : memref<128x128xf32, #tpu.memory_space<vmem>>) dst(%dma_wait3A_170 : memref<128x128xf32, #tpu.memory_space<hbm>>)
      %add3A_175 = arith.addi %add3A_10, %mul3A_41 : i32
      %add3A_176 = arith.constant 1 : i32
      %add3A_177 = arith.addi %add3A_175, %add3A_176 : i32
      %mul3A_178 = arith.constant 128 : i32
      %mul3A_179 = arith.muli %add3A_177, %mul3A_178 : i32
      %dma_wait3A_180 = arith.constant 1 : i32
      %dma_wait3A_181 = arith.constant 1 : i32
      %dma_wait3A_182 = arith.constant 0 : i32
      %dma_wait3A_183 = arith.constant 0 : i32
      %dma_wait3A_184 = tpu.memref_slice %arg6[%dma_wait3A_180, %dma_wait3A_182, %dma_wait3A_183] : memref<2x128x128xf32, #tpu.memory_space<vmem>> -> memref<1x128x128xf32, #tpu.memory_space<vmem>>
      %dma_wait3A_185 = tpu.memref_squeeze %dma_wait3A_184 : memref<1x128x128xf32, #tpu.memory_space<vmem>> -> memref<128x128xf32, #tpu.memory_space<vmem>>
      %dma_wait3A_186 = arith.constant 0 : i32
      %dma_wait3A_187 = tpu.memref_slice %arg4[%mul3A_179, %dma_wait3A_186] : memref<409600x128xf32, #tpu.memory_space<hbm>> -> memref<128x128xf32, #tpu.memory_space<hbm>>
      %dma_wait3A_188 = tpu.memref_slice %arg9[%dma_wait3A_181] : memref<2x!tpu.dma_semaphore, #tpu.memory_space<semaphore_mem>> -> memref<1x!tpu.dma_semaphore, #tpu.memory_space<semaphore_mem>>
      %dma_wait3A_189 = tpu.memref_squeeze %dma_wait3A_188 : memref<1x!tpu.dma_semaphore, #tpu.memory_space<semaphore_mem>> -> memref<!tpu.dma_semaphore, #tpu.memory_space<semaphore_mem>>
      %dma_wait3A_190 = arith.constant 0 : i32
      %dma_wait3A_191 = tpu.memref_slice %arg4[%mul3A_179, %dma_wait3A_190] : memref<409600x128xf32, #tpu.memory_space<hbm>> -> memref<128x128xf32, #tpu.memory_space<hbm>>
      %dma_wait3A_192 = arith.constant 0 : i32
      %dma_wait3A_193 = arith.constant 0 : i32
      %dma_wait3A_194 = tpu.memref_slice %arg6[%dma_wait3A_180, %dma_wait3A_192, %dma_wait3A_193] : memref<2x128x128xf32, #tpu.memory_space<vmem>> -> memref<1x128x128xf32, #tpu.memory_space<vmem>>
      %dma_wait3A_195 = tpu.memref_squeeze %dma_wait3A_194 : memref<1x128x128xf32, #tpu.memory_space<vmem>> -> memref<128x128xf32, #tpu.memory_space<vmem>>
      tpu.wait_dma2 semaphore(%dma_wait3A_189 : memref<!tpu.dma_semaphore, #tpu.memory_space<semaphore_mem>>) src(%dma_wait3A_195 : memref<128x128xf32, #tpu.memory_space<vmem>>) dst(%dma_wait3A_191 : memref<128x128xf32, #tpu.memory_space<hbm>>)
    }
    %scan3A_15 = arith.constant 25 : i32
    %barrier3A_16 = arith.constant 0 : index
    tpu.barrier barrier_id(%barrier3A_16)
    %mul3A_17 = arith.constant 624 : i32
    %mul3A_18 = arith.muli %arg1, %mul3A_17 : i32
    %mul3A_19 = arith.constant 624 : i32
    %mul3A_20 = arith.muli %arg1, %mul3A_19 : i32
    %run_scoped3A_21 = arith.constant 1 : i32
    "tpu.region"() ({
      %run_scoped3A_39 = tpu.sem_alloc : memref<!tpu.dma_semaphore, #tpu.memory_space<semaphore_mem>>
      %dma_start3A = arith.constant 0 : i32
      %dma_start3A_40 = tpu.memref_slice %arg7[%mul3A_20, %dma_start3A] : memref<10000x128xf32, #tpu.memory_space<vmem_shared>> -> memref<624x128xf32, #tpu.memory_space<vmem_shared>>
      %dma_start3A_41 = arith.constant 0 : i32
      %dma_start3A_42 = tpu.memref_slice %arg2[%run_scoped3A_21, %mul3A_18, %dma_start3A_41] : memref<2x10000x128xf32, #tpu.memory_space<hbm>> -> memref<1x624x128xf32, #tpu.memory_space<hbm>>
      %dma_start3A_43 = tpu.memref_squeeze %dma_start3A_42 : memref<1x624x128xf32, #tpu.memory_space<hbm>> -> memref<624x128xf32, #tpu.memory_space<hbm>>
      tpu.enqueue_dma source(%dma_start3A_43 : memref<624x128xf32, #tpu.memory_space<hbm>>) target(%dma_start3A_40 : memref<624x128xf32, #tpu.memory_space<vmem_shared>>) target_semaphore(%run_scoped3A_39 : memref<!tpu.dma_semaphore, #tpu.memory_space<semaphore_mem>>)
      %dma_wait3A = arith.constant 0 : i32
      %dma_wait3A_44 = tpu.memref_slice %arg7[%mul3A_20, %dma_wait3A] : memref<10000x128xf32, #tpu.memory_space<vmem_shared>> -> memref<624x128xf32, #tpu.memory_space<vmem_shared>>
      %dma_wait3A_45 = arith.constant 0 : i32
      %dma_wait3A_46 = tpu.memref_slice %arg2[%run_scoped3A_21, %mul3A_18, %dma_wait3A_45] : memref<2x10000x128xf32, #tpu.memory_space<hbm>> -> memref<1x624x128xf32, #tpu.memory_space<hbm>>
      %dma_wait3A_47 = tpu.memref_squeeze %dma_wait3A_46 : memref<1x624x128xf32, #tpu.memory_space<hbm>> -> memref<624x128xf32, #tpu.memory_space<hbm>>
      tpu.wait_dma2 semaphore(%run_scoped3A_39 : memref<!tpu.dma_semaphore, #tpu.memory_space<semaphore_mem>>) src(%dma_wait3A_47 : memref<624x128xf32, #tpu.memory_space<hbm>>) dst(%dma_wait3A_44 : memref<624x128xf32, #tpu.memory_space<vmem_shared>>)
      tpu.yield
    }) : () -> ()
    %eq3A_22 = arith.constant 15 : i32
    %eq3A_23 = arith.cmpi eq, %arg1, %eq3A_22 : i32
    %convert_element_type3A_24 = arith.extui %eq3A_23 : i1 to i32
    %cond3A_25 = arith.constant 0 : i32
    %cond3A_26 = arith.cmpi ne, %convert_element_type3A_24, %cond3A_25 : i32
    scf.if %cond3A_26 {
      %run_scoped3A_39 = arith.constant 1 : i32
      "tpu.region"() ({
        %run_scoped3A_40 = tpu.sem_alloc : memref<!tpu.dma_semaphore, #tpu.memory_space<semaphore_mem>>
        %dma_start3A = arith.constant 9984 : i32
        %dma_start3A_41 = arith.constant 0 : i32
        %dma_start3A_42 = tpu.memref_slice %arg7[%dma_start3A, %dma_start3A_41] : memref<10000x128xf32, #tpu.memory_space<vmem_shared>> -> memref<16x128xf32, #tpu.memory_space<vmem_shared>>
        %dma_start3A_43 = arith.constant 9984 : i32
        %dma_start3A_44 = arith.constant 0 : i32
        %dma_start3A_45 = tpu.memref_slice %arg2[%run_scoped3A_39, %dma_start3A_43, %dma_start3A_44] : memref<2x10000x128xf32, #tpu.memory_space<hbm>> -> memref<1x16x128xf32, #tpu.memory_space<hbm>>
        %dma_start3A_46 = tpu.memref_squeeze %dma_start3A_45 : memref<1x16x128xf32, #tpu.memory_space<hbm>> -> memref<16x128xf32, #tpu.memory_space<hbm>>
        tpu.enqueue_dma source(%dma_start3A_46 : memref<16x128xf32, #tpu.memory_space<hbm>>) target(%dma_start3A_42 : memref<16x128xf32, #tpu.memory_space<vmem_shared>>) target_semaphore(%run_scoped3A_40 : memref<!tpu.dma_semaphore, #tpu.memory_space<semaphore_mem>>)
        %dma_wait3A = arith.constant 9984 : i32
        %dma_wait3A_47 = arith.constant 0 : i32
        %dma_wait3A_48 = tpu.memref_slice %arg7[%dma_wait3A, %dma_wait3A_47] : memref<10000x128xf32, #tpu.memory_space<vmem_shared>> -> memref<16x128xf32, #tpu.memory_space<vmem_shared>>
        %dma_wait3A_49 = arith.constant 9984 : i32
        %dma_wait3A_50 = arith.constant 0 : i32
        %dma_wait3A_51 = tpu.memref_slice %arg2[%run_scoped3A_39, %dma_wait3A_49, %dma_wait3A_50] : memref<2x10000x128xf32, #tpu.memory_space<hbm>> -> memref<1x16x128xf32, #tpu.memory_space<hbm>>
        %dma_wait3A_52 = tpu.memref_squeeze %dma_wait3A_51 : memref<1x16x128xf32, #tpu.memory_space<hbm>> -> memref<16x128xf32, #tpu.memory_space<hbm>>
        tpu.wait_dma2 semaphore(%run_scoped3A_40 : memref<!tpu.dma_semaphore, #tpu.memory_space<semaphore_mem>>) src(%dma_wait3A_52 : memref<16x128xf32, #tpu.memory_space<hbm>>) dst(%dma_wait3A_48 : memref<16x128xf32, #tpu.memory_space<vmem_shared>>)
        tpu.yield
      }) : () -> ()
    } else {
    }
    %barrier3A_27 = arith.constant 0 : index
    tpu.barrier barrier_id(%barrier3A_27)
    %mul3A_28 = arith.constant 50 : i32
    %mul3A_29 = arith.muli %add3A, %mul3A_28 : i32
    %add3A_30 = arith.constant 1600 : i32
    %add3A_31 = arith.addi %add3A_30, %mul3A_29 : i32
    %scan3A_32 = arith.constant 0 : i32
    %scan3A_33 = arith.constant 0 : i32
    %scan3A_34 = arith.constant 25 : i32
    %scan3A_35 = arith.addi %scan3A_33, %scan3A_34 : i32
    %scan3A_36 = arith.constant 1 : i32
    scf.for %scan3A_39 = %scan3A_33 to %scan3A_35 step %scan3A_36  : i32 {
      %mul3A_40 = arith.constant 2 : i32
      %mul3A_41 = arith.muli %scan3A_39, %mul3A_40 : i32
      %add3A_42 = arith.constant 50 : i32
      %add3A_43 = arith.addi %add3A_42, %mul3A_41 : i32
      %add3A_44 = arith.constant 0 : i32
      %add3A_45 = arith.addi %add3A_43, %add3A_44 : i32
      %dma_start3A = arith.constant 0 : i32
      %dma_start3A_46 = arith.constant 0 : i32
      %dma_start3A_47 = arith.constant 0 : i32
      %dma_start3A_48 = arith.constant 0 : i32
      %dma_start3A_49 = tpu.memref_slice %arg6[%dma_start3A, %dma_start3A_47, %dma_start3A_48] : memref<2x128x128xf32, #tpu.memory_space<vmem>> -> memref<1x128x128xf32, #tpu.memory_space<vmem>>
      %dma_start3A_50 = tpu.memref_squeeze %dma_start3A_49 : memref<1x128x128xf32, #tpu.memory_space<vmem>> -> memref<128x128xf32, #tpu.memory_space<vmem>>
      %dma_start3A_51 = arith.constant 0 : i32
      %dma_start3A_52 = tpu.memref_slice %arg5[%add3A_45, %dma_start3A_51] : memref<100x128xi32, #tpu.memory_space<vmem>> -> memref<1x128xi32, #tpu.memory_space<vmem>>
      %dma_start3A_53 = tpu.memref_squeeze %dma_start3A_52 : memref<1x128xi32, #tpu.memory_space<vmem>> -> memref<128xi32, #tpu.memory_space<vmem>>
      %dma_start3A_54 = arith.constant 0 : i32
      %dma_start3A_55 = arith.constant 0 : i32
      %dma_start3A_56 = tpu.memref_slice %arg7[%dma_start3A_54, %dma_start3A_55] : memref<10000x128xf32, #tpu.memory_space<vmem_shared>> -> memref<10000x128xf32, #tpu.memory_space<vmem_shared>>
      %dma_start3A_57 = tpu.memref_slice %arg8[%dma_start3A_46] : memref<2x!tpu.dma_semaphore, #tpu.memory_space<semaphore_mem>> -> memref<1x!tpu.dma_semaphore, #tpu.memory_space<semaphore_mem>>
      %dma_start3A_58 = tpu.memref_squeeze %dma_start3A_57 : memref<1x!tpu.dma_semaphore, #tpu.memory_space<semaphore_mem>> -> memref<!tpu.dma_semaphore, #tpu.memory_space<semaphore_mem>>
      tpu.enqueue_indirect_dma source(%dma_start3A_56 : memref<10000x128xf32, #tpu.memory_space<vmem_shared>>) target(%dma_start3A_50 : memref<128x128xf32, #tpu.memory_space<vmem>>) offsets(%dma_start3A_53 : memref<128xi32, #tpu.memory_space<vmem>>) semaphore(%dma_start3A_58 : memref<!tpu.dma_semaphore, #tpu.memory_space<semaphore_mem>>)
      %add3A_59 = arith.constant 50 : i32
      %add3A_60 = arith.addi %add3A_59, %mul3A_41 : i32
      %add3A_61 = arith.constant 1 : i32
      %add3A_62 = arith.addi %add3A_60, %add3A_61 : i32
      %dma_start3A_63 = arith.constant 1 : i32
      %dma_start3A_64 = arith.constant 1 : i32
      %dma_start3A_65 = arith.constant 0 : i32
      %dma_start3A_66 = arith.constant 0 : i32
      %dma_start3A_67 = tpu.memref_slice %arg6[%dma_start3A_63, %dma_start3A_65, %dma_start3A_66] : memref<2x128x128xf32, #tpu.memory_space<vmem>> -> memref<1x128x128xf32, #tpu.memory_space<vmem>>
      %dma_start3A_68 = tpu.memref_squeeze %dma_start3A_67 : memref<1x128x128xf32, #tpu.memory_space<vmem>> -> memref<128x128xf32, #tpu.memory_space<vmem>>
      %dma_start3A_69 = arith.constant 0 : i32
      %dma_start3A_70 = tpu.memref_slice %arg5[%add3A_62, %dma_start3A_69] : memref<100x128xi32, #tpu.memory_space<vmem>> -> memref<1x128xi32, #tpu.memory_space<vmem>>
      %dma_start3A_71 = tpu.memref_squeeze %dma_start3A_70 : memref<1x128xi32, #tpu.memory_space<vmem>> -> memref<128xi32, #tpu.memory_space<vmem>>
      %dma_start3A_72 = arith.constant 0 : i32
      %dma_start3A_73 = arith.constant 0 : i32
      %dma_start3A_74 = tpu.memref_slice %arg7[%dma_start3A_72, %dma_start3A_73] : memref<10000x128xf32, #tpu.memory_space<vmem_shared>> -> memref<10000x128xf32, #tpu.memory_space<vmem_shared>>
      %dma_start3A_75 = tpu.memref_slice %arg8[%dma_start3A_64] : memref<2x!tpu.dma_semaphore, #tpu.memory_space<semaphore_mem>> -> memref<1x!tpu.dma_semaphore, #tpu.memory_space<semaphore_mem>>
      %dma_start3A_76 = tpu.memref_squeeze %dma_start3A_75 : memref<1x!tpu.dma_semaphore, #tpu.memory_space<semaphore_mem>> -> memref<!tpu.dma_semaphore, #tpu.memory_space<semaphore_mem>>
      tpu.enqueue_indirect_dma source(%dma_start3A_74 : memref<10000x128xf32, #tpu.memory_space<vmem_shared>>) target(%dma_start3A_68 : memref<128x128xf32, #tpu.memory_space<vmem>>) offsets(%dma_start3A_71 : memref<128xi32, #tpu.memory_space<vmem>>) semaphore(%dma_start3A_76 : memref<!tpu.dma_semaphore, #tpu.memory_space<semaphore_mem>>)
      %add3A_77 = arith.constant 50 : i32
      %add3A_78 = arith.addi %add3A_77, %mul3A_41 : i32
      %add3A_79 = arith.constant 0 : i32
      %add3A_80 = arith.addi %add3A_78, %add3A_79 : i32
      %dma_wait3A = arith.constant 0 : i32
      %dma_wait3A_81 = arith.constant 0 : i32
      %dma_wait3A_82 = arith.constant 0 : i32
      %dma_wait3A_83 = arith.constant 0 : i32
      %dma_wait3A_84 = tpu.memref_slice %arg6[%dma_wait3A, %dma_wait3A_82, %dma_wait3A_83] : memref<2x128x128xf32, #tpu.memory_space<vmem>> -> memref<1x128x128xf32, #tpu.memory_space<vmem>>
      %dma_wait3A_85 = tpu.memref_squeeze %dma_wait3A_84 : memref<1x128x128xf32, #tpu.memory_space<vmem>> -> memref<128x128xf32, #tpu.memory_space<vmem>>
      %dma_wait3A_86 = arith.constant 0 : i32
      %dma_wait3A_87 = tpu.memref_slice %arg5[%add3A_80, %dma_wait3A_86] : memref<100x128xi32, #tpu.memory_space<vmem>> -> memref<1x128xi32, #tpu.memory_space<vmem>>
      %dma_wait3A_88 = tpu.memref_squeeze %dma_wait3A_87 : memref<1x128xi32, #tpu.memory_space<vmem>> -> memref<128xi32, #tpu.memory_space<vmem>>
      %dma_wait3A_89 = arith.constant 0 : i32
      %dma_wait3A_90 = arith.constant 0 : i32
      %dma_wait3A_91 = tpu.memref_slice %arg7[%dma_wait3A_89, %dma_wait3A_90] : memref<10000x128xf32, #tpu.memory_space<vmem_shared>> -> memref<10000x128xf32, #tpu.memory_space<vmem_shared>>
      %dma_wait3A_92 = tpu.memref_slice %arg8[%dma_wait3A_81] : memref<2x!tpu.dma_semaphore, #tpu.memory_space<semaphore_mem>> -> memref<1x!tpu.dma_semaphore, #tpu.memory_space<semaphore_mem>>
      %dma_wait3A_93 = tpu.memref_squeeze %dma_wait3A_92 : memref<1x!tpu.dma_semaphore, #tpu.memory_space<semaphore_mem>> -> memref<!tpu.dma_semaphore, #tpu.memory_space<semaphore_mem>>
      tpu.wait_indirect_dma semaphore(%dma_wait3A_93 : memref<!tpu.dma_semaphore, #tpu.memory_space<semaphore_mem>>) src(%dma_wait3A_91 : memref<10000x128xf32, #tpu.memory_space<vmem_shared>>) dst(%dma_wait3A_85 : memref<128x128xf32, #tpu.memory_space<vmem>>)
      %add3A_94 = arith.addi %add3A_31, %mul3A_41 : i32
      %add3A_95 = arith.constant 0 : i32
      %add3A_96 = arith.addi %add3A_94, %add3A_95 : i32
      %mul3A_97 = arith.constant 128 : i32
      %mul3A_98 = arith.muli %add3A_96, %mul3A_97 : i32
      %dma_start3A_99 = arith.constant 0 : i32
      %dma_start3A_100 = arith.constant 0 : i32
      %dma_start3A_101 = arith.constant 0 : i32
      %dma_start3A_102 = arith.constant 0 : i32
      %dma_start3A_103 = tpu.memref_slice %arg6[%dma_start3A_99, %dma_start3A_101, %dma_start3A_102] : memref<2x128x128xf32, #tpu.memory_space<vmem>> -> memref<1x128x128xf32, #tpu.memory_space<vmem>>
      %dma_start3A_104 = tpu.memref_squeeze %dma_start3A_103 : memref<1x128x128xf32, #tpu.memory_space<vmem>> -> memref<128x128xf32, #tpu.memory_space<vmem>>
      %dma_start3A_105 = arith.constant 0 : i32
      %dma_start3A_106 = tpu.memref_slice %arg4[%mul3A_98, %dma_start3A_105] : memref<409600x128xf32, #tpu.memory_space<hbm>> -> memref<128x128xf32, #tpu.memory_space<hbm>>
      %dma_start3A_107 = tpu.memref_slice %arg9[%dma_start3A_100] : memref<2x!tpu.dma_semaphore, #tpu.memory_space<semaphore_mem>> -> memref<1x!tpu.dma_semaphore, #tpu.memory_space<semaphore_mem>>
      %dma_start3A_108 = tpu.memref_squeeze %dma_start3A_107 : memref<1x!tpu.dma_semaphore, #tpu.memory_space<semaphore_mem>> -> memref<!tpu.dma_semaphore, #tpu.memory_space<semaphore_mem>>
      %dma_start3A_109 = arith.constant 0 : i32
      %dma_start3A_110 = tpu.memref_slice %arg4[%mul3A_98, %dma_start3A_109] : memref<409600x128xf32, #tpu.memory_space<hbm>> -> memref<128x128xf32, #tpu.memory_space<hbm>>
      %dma_start3A_111 = arith.constant 0 : i32
      %dma_start3A_112 = arith.constant 0 : i32
      %dma_start3A_113 = tpu.memref_slice %arg6[%dma_start3A_99, %dma_start3A_111, %dma_start3A_112] : memref<2x128x128xf32, #tpu.memory_space<vmem>> -> memref<1x128x128xf32, #tpu.memory_space<vmem>>
      %dma_start3A_114 = tpu.memref_squeeze %dma_start3A_113 : memref<1x128x128xf32, #tpu.memory_space<vmem>> -> memref<128x128xf32, #tpu.memory_space<vmem>>
      tpu.enqueue_dma source(%dma_start3A_114 : memref<128x128xf32, #tpu.memory_space<vmem>>) target(%dma_start3A_110 : memref<128x128xf32, #tpu.memory_space<hbm>>) target_semaphore(%dma_start3A_108 : memref<!tpu.dma_semaphore, #tpu.memory_space<semaphore_mem>>)
      %add3A_115 = arith.constant 50 : i32
      %add3A_116 = arith.addi %add3A_115, %mul3A_41 : i32
      %add3A_117 = arith.constant 1 : i32
      %add3A_118 = arith.addi %add3A_116, %add3A_117 : i32
      %dma_wait3A_119 = arith.constant 1 : i32
      %dma_wait3A_120 = arith.constant 1 : i32
      %dma_wait3A_121 = arith.constant 0 : i32
      %dma_wait3A_122 = arith.constant 0 : i32
      %dma_wait3A_123 = tpu.memref_slice %arg6[%dma_wait3A_119, %dma_wait3A_121, %dma_wait3A_122] : memref<2x128x128xf32, #tpu.memory_space<vmem>> -> memref<1x128x128xf32, #tpu.memory_space<vmem>>
      %dma_wait3A_124 = tpu.memref_squeeze %dma_wait3A_123 : memref<1x128x128xf32, #tpu.memory_space<vmem>> -> memref<128x128xf32, #tpu.memory_space<vmem>>
      %dma_wait3A_125 = arith.constant 0 : i32
      %dma_wait3A_126 = tpu.memref_slice %arg5[%add3A_118, %dma_wait3A_125] : memref<100x128xi32, #tpu.memory_space<vmem>> -> memref<1x128xi32, #tpu.memory_space<vmem>>
      %dma_wait3A_127 = tpu.memref_squeeze %dma_wait3A_126 : memref<1x128xi32, #tpu.memory_space<vmem>> -> memref<128xi32, #tpu.memory_space<vmem>>
      %dma_wait3A_128 = arith.constant 0 : i32
      %dma_wait3A_129 = arith.constant 0 : i32
      %dma_wait3A_130 = tpu.memref_slice %arg7[%dma_wait3A_128, %dma_wait3A_129] : memref<10000x128xf32, #tpu.memory_space<vmem_shared>> -> memref<10000x128xf32, #tpu.memory_space<vmem_shared>>
      %dma_wait3A_131 = tpu.memref_slice %arg8[%dma_wait3A_120] : memref<2x!tpu.dma_semaphore, #tpu.memory_space<semaphore_mem>> -> memref<1x!tpu.dma_semaphore, #tpu.memory_space<semaphore_mem>>
      %dma_wait3A_132 = tpu.memref_squeeze %dma_wait3A_131 : memref<1x!tpu.dma_semaphore, #tpu.memory_space<semaphore_mem>> -> memref<!tpu.dma_semaphore, #tpu.memory_space<semaphore_mem>>
      tpu.wait_indirect_dma semaphore(%dma_wait3A_132 : memref<!tpu.dma_semaphore, #tpu.memory_space<semaphore_mem>>) src(%dma_wait3A_130 : memref<10000x128xf32, #tpu.memory_space<vmem_shared>>) dst(%dma_wait3A_124 : memref<128x128xf32, #tpu.memory_space<vmem>>)
      %add3A_133 = arith.addi %add3A_31, %mul3A_41 : i32
      %add3A_134 = arith.constant 1 : i32
      %add3A_135 = arith.addi %add3A_133, %add3A_134 : i32
      %mul3A_136 = arith.constant 128 : i32
      %mul3A_137 = arith.muli %add3A_135, %mul3A_136 : i32
      %dma_start3A_138 = arith.constant 1 : i32
      %dma_start3A_139 = arith.constant 1 : i32
      %dma_start3A_140 = arith.constant 0 : i32
      %dma_start3A_141 = arith.constant 0 : i32
      %dma_start3A_142 = tpu.memref_slice %arg6[%dma_start3A_138, %dma_start3A_140, %dma_start3A_141] : memref<2x128x128xf32, #tpu.memory_space<vmem>> -> memref<1x128x128xf32, #tpu.memory_space<vmem>>
      %dma_start3A_143 = tpu.memref_squeeze %dma_start3A_142 : memref<1x128x128xf32, #tpu.memory_space<vmem>> -> memref<128x128xf32, #tpu.memory_space<vmem>>
      %dma_start3A_144 = arith.constant 0 : i32
      %dma_start3A_145 = tpu.memref_slice %arg4[%mul3A_137, %dma_start3A_144] : memref<409600x128xf32, #tpu.memory_space<hbm>> -> memref<128x128xf32, #tpu.memory_space<hbm>>
      %dma_start3A_146 = tpu.memref_slice %arg9[%dma_start3A_139] : memref<2x!tpu.dma_semaphore, #tpu.memory_space<semaphore_mem>> -> memref<1x!tpu.dma_semaphore, #tpu.memory_space<semaphore_mem>>
      %dma_start3A_147 = tpu.memref_squeeze %dma_start3A_146 : memref<1x!tpu.dma_semaphore, #tpu.memory_space<semaphore_mem>> -> memref<!tpu.dma_semaphore, #tpu.memory_space<semaphore_mem>>
      %dma_start3A_148 = arith.constant 0 : i32
      %dma_start3A_149 = tpu.memref_slice %arg4[%mul3A_137, %dma_start3A_148] : memref<409600x128xf32, #tpu.memory_space<hbm>> -> memref<128x128xf32, #tpu.memory_space<hbm>>
      %dma_start3A_150 = arith.constant 0 : i32
      %dma_start3A_151 = arith.constant 0 : i32
      %dma_start3A_152 = tpu.memref_slice %arg6[%dma_start3A_138, %dma_start3A_150, %dma_start3A_151] : memref<2x128x128xf32, #tpu.memory_space<vmem>> -> memref<1x128x128xf32, #tpu.memory_space<vmem>>
      %dma_start3A_153 = tpu.memref_squeeze %dma_start3A_152 : memref<1x128x128xf32, #tpu.memory_space<vmem>> -> memref<128x128xf32, #tpu.memory_space<vmem>>
      tpu.enqueue_dma source(%dma_start3A_153 : memref<128x128xf32, #tpu.memory_space<vmem>>) target(%dma_start3A_149 : memref<128x128xf32, #tpu.memory_space<hbm>>) target_semaphore(%dma_start3A_147 : memref<!tpu.dma_semaphore, #tpu.memory_space<semaphore_mem>>)
      %add3A_154 = arith.addi %add3A_31, %mul3A_41 : i32
      %add3A_155 = arith.constant 0 : i32
      %add3A_156 = arith.addi %add3A_154, %add3A_155 : i32
      %mul3A_157 = arith.constant 128 : i32
      %mul3A_158 = arith.muli %add3A_156, %mul3A_157 : i32
      %dma_wait3A_159 = arith.constant 0 : i32
      %dma_wait3A_160 = arith.constant 0 : i32
      %dma_wait3A_161 = arith.constant 0 : i32
      %dma_wait3A_162 = arith.constant 0 : i32
      %dma_wait3A_163 = tpu.memref_slice %arg6[%dma_wait3A_159, %dma_wait3A_161, %dma_wait3A_162] : memref<2x128x128xf32, #tpu.memory_space<vmem>> -> memref<1x128x128xf32, #tpu.memory_space<vmem>>
      %dma_wait3A_164 = tpu.memref_squeeze %dma_wait3A_163 : memref<1x128x128xf32, #tpu.memory_space<vmem>> -> memref<128x128xf32, #tpu.memory_space<vmem>>
      %dma_wait3A_165 = arith.constant 0 : i32
      %dma_wait3A_166 = tpu.memref_slice %arg4[%mul3A_158, %dma_wait3A_165] : memref<409600x128xf32, #tpu.memory_space<hbm>> -> memref<128x128xf32, #tpu.memory_space<hbm>>
      %dma_wait3A_167 = tpu.memref_slice %arg9[%dma_wait3A_160] : memref<2x!tpu.dma_semaphore, #tpu.memory_space<semaphore_mem>> -> memref<1x!tpu.dma_semaphore, #tpu.memory_space<semaphore_mem>>
      %dma_wait3A_168 = tpu.memref_squeeze %dma_wait3A_167 : memref<1x!tpu.dma_semaphore, #tpu.memory_space<semaphore_mem>> -> memref<!tpu.dma_semaphore, #tpu.memory_space<semaphore_mem>>
      %dma_wait3A_169 = arith.constant 0 : i32
      %dma_wait3A_170 = tpu.memref_slice %arg4[%mul3A_158, %dma_wait3A_169] : memref<409600x128xf32, #tpu.memory_space<hbm>> -> memref<128x128xf32, #tpu.memory_space<hbm>>
      %dma_wait3A_171 = arith.constant 0 : i32
      %dma_wait3A_172 = arith.constant 0 : i32
      %dma_wait3A_173 = tpu.memref_slice %arg6[%dma_wait3A_159, %dma_wait3A_171, %dma_wait3A_172] : memref<2x128x128xf32, #tpu.memory_space<vmem>> -> memref<1x128x128xf32, #tpu.memory_space<vmem>>
      %dma_wait3A_174 = tpu.memref_squeeze %dma_wait3A_173 : memref<1x128x128xf32, #tpu.memory_space<vmem>> -> memref<128x128xf32, #tpu.memory_space<vmem>>
      tpu.wait_dma2 semaphore(%dma_wait3A_168 : memref<!tpu.dma_semaphore, #tpu.memory_space<semaphore_mem>>) src(%dma_wait3A_174 : memref<128x128xf32, #tpu.memory_space<vmem>>) dst(%dma_wait3A_170 : memref<128x128xf32, #tpu.memory_space<hbm>>)
      %add3A_175 = arith.addi %add3A_31, %mul3A_41 : i32
      %add3A_176 = arith.constant 1 : i32
      %add3A_177 = arith.addi %add3A_175, %add3A_176 : i32
      %mul3A_178 = arith.constant 128 : i32
      %mul3A_179 = arith.muli %add3A_177, %mul3A_178 : i32
      %dma_wait3A_180 = arith.constant 1 : i32
      %dma_wait3A_181 = arith.constant 1 : i32
      %dma_wait3A_182 = arith.constant 0 : i32
      %dma_wait3A_183 = arith.constant 0 : i32
      %dma_wait3A_184 = tpu.memref_slice %arg6[%dma_wait3A_180, %dma_wait3A_182, %dma_wait3A_183] : memref<2x128x128xf32, #tpu.memory_space<vmem>> -> memref<1x128x128xf32, #tpu.memory_space<vmem>>
      %dma_wait3A_185 = tpu.memref_squeeze %dma_wait3A_184 : memref<1x128x128xf32, #tpu.memory_space<vmem>> -> memref<128x128xf32, #tpu.memory_space<vmem>>
      %dma_wait3A_186 = arith.constant 0 : i32
      %dma_wait3A_187 = tpu.memref_slice %arg4[%mul3A_179, %dma_wait3A_186] : memref<409600x128xf32, #tpu.memory_space<hbm>> -> memref<128x128xf32, #tpu.memory_space<hbm>>
      %dma_wait3A_188 = tpu.memref_slice %arg9[%dma_wait3A_181] : memref<2x!tpu.dma_semaphore, #tpu.memory_space<semaphore_mem>> -> memref<1x!tpu.dma_semaphore, #tpu.memory_space<semaphore_mem>>
      %dma_wait3A_189 = tpu.memref_squeeze %dma_wait3A_188 : memref<1x!tpu.dma_semaphore, #tpu.memory_space<semaphore_mem>> -> memref<!tpu.dma_semaphore, #tpu.memory_space<semaphore_mem>>
      %dma_wait3A_190 = arith.constant 0 : i32
      %dma_wait3A_191 = tpu.memref_slice %arg4[%mul3A_179, %dma_wait3A_190] : memref<409600x128xf32, #tpu.memory_space<hbm>> -> memref<128x128xf32, #tpu.memory_space<hbm>>
      %dma_wait3A_192 = arith.constant 0 : i32
      %dma_wait3A_193 = arith.constant 0 : i32
      %dma_wait3A_194 = tpu.memref_slice %arg6[%dma_wait3A_180, %dma_wait3A_192, %dma_wait3A_193] : memref<2x128x128xf32, #tpu.memory_space<vmem>> -> memref<1x128x128xf32, #tpu.memory_space<vmem>>
      %dma_wait3A_195 = tpu.memref_squeeze %dma_wait3A_194 : memref<1x128x128xf32, #tpu.memory_space<vmem>> -> memref<128x128xf32, #tpu.memory_space<vmem>>
      tpu.wait_dma2 semaphore(%dma_wait3A_189 : memref<!tpu.dma_semaphore, #tpu.memory_space<semaphore_mem>>) src(%dma_wait3A_195 : memref<128x128xf32, #tpu.memory_space<vmem>>) dst(%dma_wait3A_191 : memref<128x128xf32, #tpu.memory_space<hbm>>)
    }
    %scan3A_37 = arith.constant 25 : i32
    %barrier3A_38 = arith.constant 0 : index
    tpu.barrier barrier_id(%barrier3A_38)
    return
  }
}

module attributes {stable_mosaic.version = 14 : i64} {
  func.func @_node_body(%arg0: i32, %arg1: memref<2000x128xf32, #tpu.memory_space<vmem>>, %arg2: memref<128x128xf32, #tpu.memory_space<vmem>>, %arg3: memref<1x128xf32, #tpu.memory_space<vmem>>, %arg4: memref<128x128xf32, #tpu.memory_space<vmem>>, %arg5: memref<1x128xf32, #tpu.memory_space<vmem>>, %arg6: memref<2000x128xf32, #tpu.memory_space<vmem>>, %arg7: memref<2000x128xf32, #tpu.memory_space<vmem>>) attributes {dimension_semantics = [#tpu.dimension_semantics<arbitrary>], iteration_bounds = array<i64: 10>, scalar_prefetch = 0 : i64, scratch_operands = 0 : i64, tpu.core_type = #tpu.core_type<tc>, window_params = [{transform_indices = @transform_0, window_bounds = array<i64: 2000, 128>}, {pipeline_mode = #tpu.pipeline_mode<synchronous>, transform_indices = @transform_1, window_bounds = array<i64: 128, 128>}, {pipeline_mode = #tpu.pipeline_mode<synchronous>, transform_indices = @transform_2, window_bounds = array<i64: 1, 128>}, {pipeline_mode = #tpu.pipeline_mode<synchronous>, transform_indices = @transform_3, window_bounds = array<i64: 128, 128>}, {pipeline_mode = #tpu.pipeline_mode<synchronous>, transform_indices = @transform_4, window_bounds = array<i64: 1, 128>}, {transform_indices = @transform_5, window_bounds = array<i64: 2000, 128>}, {transform_indices = @transform_6, window_bounds = array<i64: 2000, 128>}]} {
    %get3A = arith.constant 0 : index
    %get3A_0 = arith.constant 0 : index
    %get3A_1 = vector.load %arg1[%get3A, %get3A_0] : memref<2000x128xf32, #tpu.memory_space<vmem>>, vector<2000x128xf32>
    %get3A_2 = arith.constant 0 : index
    %get3A_3 = arith.constant 0 : index
    %get3A_4 = vector.load %arg2[%get3A_2, %get3A_3] : memref<128x128xf32, #tpu.memory_space<vmem>>, vector<128x128xf32>
    %dot_general3A = arith.constant dense<0.000000e+00> : vector<2000x128xf32>
    %dot_general3A_5 = tpu.matmul %get3A_1, %get3A_4, %dot_general3A {dimension_numbers = #tpu.dot_dimension_numbers<[1], [1], [0], [0], [0, 0, 1, 0], [], []>, transpose_lhs_hint = false} : vector<2000x128xf32>, vector<128x128xf32>, vector<2000x128xf32> -> vector<2000x128xf32>
    %get3A_6 = arith.constant 0 : index
    %get3A_7 = arith.constant 0 : index
    %get3A_8 = vector.load %arg3[%get3A_6, %get3A_7] : memref<1x128xf32, #tpu.memory_space<vmem>>, vector<1x128xf32>
    %add3A = vector.broadcast %get3A_8 : vector<1x128xf32> to vector<2000x128xf32>
    %add3A_9 = arith.addf %dot_general3A_5, %add3A : vector<2000x128xf32>
    %swap3A = arith.constant 0 : index
    %swap3A_10 = arith.constant 0 : index
    %swap3A_11 = vector.load %arg6[%swap3A, %swap3A_10] : memref<2000x128xf32, #tpu.memory_space<vmem>>, vector<2000x128xf32>
    tpu.vector_store %arg6[%swap3A, %swap3A_10], %add3A_9 {strides = array<i32>} : memref<2000x128xf32, #tpu.memory_space<vmem>>, vector<2000x128xf32>,
    %get3A_12 = arith.constant 0 : index
    %get3A_13 = arith.constant 0 : index
    %get3A_14 = vector.load %arg4[%get3A_12, %get3A_13] : memref<128x128xf32, #tpu.memory_space<vmem>>, vector<128x128xf32>
    %dot_general3A_15 = arith.constant dense<0.000000e+00> : vector<2000x128xf32>
    %dot_general3A_16 = tpu.matmul %get3A_1, %get3A_14, %dot_general3A_15 {dimension_numbers = #tpu.dot_dimension_numbers<[1], [1], [0], [0], [0, 0, 1, 0], [], []>, transpose_lhs_hint = false} : vector<2000x128xf32>, vector<128x128xf32>, vector<2000x128xf32> -> vector<2000x128xf32>
    %get3A_17 = arith.constant 0 : index
    %get3A_18 = arith.constant 0 : index
    %get3A_19 = vector.load %arg5[%get3A_17, %get3A_18] : memref<1x128xf32, #tpu.memory_space<vmem>>, vector<1x128xf32>
    %add3A_20 = vector.broadcast %get3A_19 : vector<1x128xf32> to vector<2000x128xf32>
    %add3A_21 = arith.addf %dot_general3A_16, %add3A_20 : vector<2000x128xf32>
    %swap3A_22 = arith.constant 0 : index
    %swap3A_23 = arith.constant 0 : index
    %swap3A_24 = vector.load %arg7[%swap3A_22, %swap3A_23] : memref<2000x128xf32, #tpu.memory_space<vmem>>, vector<2000x128xf32>
    tpu.vector_store %arg7[%swap3A_22, %swap3A_23], %add3A_21 {strides = array<i32>} : memref<2000x128xf32, #tpu.memory_space<vmem>>, vector<2000x128xf32>,
    return
  }
  func.func @transform_0(%arg0: i32) -> (i32, i32) {
    %c0_i32 = arith.constant 0 : i32
    %c0_i32_0 = arith.constant 0 : i32
    return %arg0, %c0_i32 : i32, i32
  }
  func.func @transform_1(%arg0: i32) -> (i32, i32) {
    %c0_i32 = arith.constant 0 : i32
    %c0_i32_0 = arith.constant 0 : i32
    %c0_i32_1 = arith.constant 0 : i32
    return %c0_i32, %c0_i32_0 : i32, i32
  }
  func.func @transform_2(%arg0: i32) -> (i32, i32) {
    %c0_i32 = arith.constant 0 : i32
    %c0_i32_0 = arith.constant 0 : i32
    %c0_i32_1 = arith.constant 0 : i32
    return %c0_i32, %c0_i32_0 : i32, i32
  }
  func.func @transform_3(%arg0: i32) -> (i32, i32) {
    %c0_i32 = arith.constant 0 : i32
    %c0_i32_0 = arith.constant 0 : i32
    %c0_i32_1 = arith.constant 0 : i32
    return %c0_i32, %c0_i32_0 : i32, i32
  }
  func.func @transform_4(%arg0: i32) -> (i32, i32) {
    %c0_i32 = arith.constant 0 : i32
    %c0_i32_0 = arith.constant 0 : i32
    %c0_i32_1 = arith.constant 0 : i32
    return %c0_i32, %c0_i32_0 : i32, i32
  }
  func.func @transform_5(%arg0: i32) -> (i32, i32) {
    %c0_i32 = arith.constant 0 : i32
    %c0_i32_0 = arith.constant 0 : i32
    return %arg0, %c0_i32 : i32, i32
  }
  func.func @transform_6(%arg0: i32) -> (i32, i32) {
    %c0_i32 = arith.constant 0 : i32
    %c0_i32_0 = arith.constant 0 : i32
    return %arg0, %c0_i32 : i32, i32
  }
}

module attributes {stable_mosaic.version = 14 : i64} {
  func.func @_edge_body(%arg0: i32, %arg1: memref<1600x128xf32, #tpu.memory_space<vmem>>, %arg2: memref<1600x128xf32, #tpu.memory_space<vmem>>, %arg3: memref<80x128xf32, #tpu.memory_space<vmem>>, %arg4: memref<128x128xf32, #tpu.memory_space<vmem>>, %arg5: memref<1x128xf32, #tpu.memory_space<vmem>>, %arg6: memref<80x128xf32, #tpu.memory_space<vmem>>) attributes {dimension_semantics = [#tpu.dimension_semantics<arbitrary>], iteration_bounds = array<i64: 250>, scalar_prefetch = 0 : i64, scratch_operands = 0 : i64, tpu.core_type = #tpu.core_type<tc>, window_params = [{transform_indices = @transform_0, window_bounds = array<i64: 1600, 128>}, {transform_indices = @transform_1, window_bounds = array<i64: 1600, 128>}, {transform_indices = @transform_2, window_bounds = array<i64: 80, 128>}, {pipeline_mode = #tpu.pipeline_mode<synchronous>, transform_indices = @transform_3, window_bounds = array<i64: 128, 128>}, {pipeline_mode = #tpu.pipeline_mode<synchronous>, transform_indices = @transform_4, window_bounds = array<i64: 1, 128>}, {transform_indices = @transform_5, window_bounds = array<i64: 80, 128>}]} {
    %get3A = arith.constant 0 : index
    %get3A_0 = arith.constant 0 : index
    %get3A_1 = vector.load %arg1[%get3A, %get3A_0] : memref<1600x128xf32, #tpu.memory_space<vmem>>, vector<1600x128xf32>
    %get3A_2 = arith.constant 0 : index
    %get3A_3 = arith.constant 0 : index
    %get3A_4 = vector.load %arg4[%get3A_2, %get3A_3] : memref<128x128xf32, #tpu.memory_space<vmem>>, vector<128x128xf32>
    %dot_general3A = arith.constant dense<0.000000e+00> : vector<1600x128xf32>
    %dot_general3A_5 = tpu.matmul %get3A_1, %get3A_4, %dot_general3A {dimension_numbers = #tpu.dot_dimension_numbers<[1], [1], [0], [0], [0, 0, 1, 0], [], []>, transpose_lhs_hint = false} : vector<1600x128xf32>, vector<128x128xf32>, vector<1600x128xf32> -> vector<1600x128xf32>
    %get3A_6 = arith.constant 0 : index
    %get3A_7 = arith.constant 0 : index
    %get3A_8 = vector.load %arg5[%get3A_6, %get3A_7] : memref<1x128xf32, #tpu.memory_space<vmem>>, vector<1x128xf32>
    %add3A = vector.broadcast %get3A_8 : vector<1x128xf32> to vector<1600x128xf32>
    %add3A_9 = arith.addf %dot_general3A_5, %add3A : vector<1600x128xf32>
    %exp3A = math.exp %add3A_9 : vector<1600x128xf32>
    %get3A_10 = arith.constant 0 : index
    %get3A_11 = arith.constant 0 : index
    %get3A_12 = vector.load %arg2[%get3A_10, %get3A_11] : memref<1600x128xf32, #tpu.memory_space<vmem>>, vector<1600x128xf32>
    %mul3A = arith.mulf %exp3A, %get3A_12 : vector<1600x128xf32>
    %convert_element_type3A = arith.truncf %mul3A : vector<1600x128xf32> to vector<1600x128xbf16>
    %convert_element_type3A_13 = arith.truncf %exp3A : vector<1600x128xf32> to vector<1600x128xbf16>
    %concatenate3A = tpu.concatenate %convert_element_type3A_13, %convert_element_type3A in 1 : vector<1600x128xbf16>, vector<1600x128xbf16> -> vector<1600x256xbf16>
    %iota3A = tpu.iota {dimensions = array<i32: 0>} : vector<80x1600xi32>
    %iota3A_14 = tpu.iota {dimensions = array<i32: 1>} : vector<80x1600xi32>
    %mul3A_15 = arith.constant 20 : i32
    %mul3A_16 = vector.broadcast %mul3A_15 : i32 to vector<80x1600xi32>
    %mul3A_17 = arith.muli %iota3A, %mul3A_16 : vector<80x1600xi32>
    %ge3A = arith.cmpi sge, %iota3A_14, %mul3A_17 : vector<80x1600xi32>
    %add3A_18 = arith.constant 1 : i32
    %add3A_19 = vector.broadcast %add3A_18 : i32 to vector<80x1600xi32>
    %add3A_20 = arith.addi %iota3A, %add3A_19 : vector<80x1600xi32>
    %mul3A_21 = arith.constant 20 : i32
    %mul3A_22 = vector.broadcast %mul3A_21 : i32 to vector<80x1600xi32>
    %mul3A_23 = arith.muli %add3A_20, %mul3A_22 : vector<80x1600xi32>
    %lt3A = arith.cmpi slt, %iota3A_14, %mul3A_23 : vector<80x1600xi32>
    %and3A = arith.andi %ge3A, %lt3A : vector<80x1600xi1>
    %convert_element_type3A_24 = arith.extui %and3A : vector<80x1600xi1> to vector<80x1600xi32>
    %convert_element_type3A_25 = arith.sitofp %convert_element_type3A_24 : vector<80x1600xi32> to vector<80x1600xf32>
    %convert_element_type3A_26 = arith.truncf %convert_element_type3A_25 : vector<80x1600xf32> to vector<80x1600xbf16>
    %dot_general3A_27 = arith.constant dense<0.000000e+00> : vector<80x256xf32>
    %dot_general3A_28 = tpu.matmul %convert_element_type3A_26, %concatenate3A, %dot_general3A_27 {dimension_numbers = #tpu.dot_dimension_numbers<[1], [0], [0], [1], [0, 0, 1, 1], [], []>, transpose_lhs_hint = false} : vector<80x1600xbf16>, vector<1600x256xbf16>, vector<80x256xf32> -> vector<80x256xf32>
    %get3A_29 = arith.constant 0 : index
    %get3A_30 = arith.constant 0 : index
    %get3A_31 = vector.load %arg3[%get3A_29, %get3A_30] : memref<80x128xf32, #tpu.memory_space<vmem>>, vector<80x128xf32>
    %slice3A = vector.extract_strided_slice %dot_general3A_28 {offsets = [0, 128], sizes = [80, 128], strides = [1, 1]} : vector<80x256xf32> to vector<80x128xf32>
    %slice3A_32 = vector.extract_strided_slice %dot_general3A_28 {offsets = [0, 0], sizes = [80, 128], strides = [1, 1]} : vector<80x256xf32> to vector<80x128xf32>
    %div3A = arith.divf %slice3A, %slice3A_32 : vector<80x128xf32>
    %add3A_33 = arith.addf %get3A_31, %div3A : vector<80x128xf32>
    %swap3A = arith.constant 0 : index
    %swap3A_34 = arith.constant 0 : index
    %swap3A_35 = vector.load %arg6[%swap3A, %swap3A_34] : memref<80x128xf32, #tpu.memory_space<vmem>>, vector<80x128xf32>
    tpu.vector_store %arg6[%swap3A, %swap3A_34], %add3A_33 {strides = array<i32>} : memref<80x128xf32, #tpu.memory_space<vmem>>, vector<80x128xf32>,
    return
  }
  func.func @transform_0(%arg0: i32) -> (i32, i32) {
    %c0_i32 = arith.constant 0 : i32
    %c0_i32_0 = arith.constant 0 : i32
    return %arg0, %c0_i32 : i32, i32
  }
  func.func @transform_1(%arg0: i32) -> (i32, i32) {
    %jit3A = arith.constant 125 : i32
    %div3A = arith.divsi %arg0, %jit3A : i32
    %sign3A = arith.constant 0 : i32
    %sign3A_0 = arith.cmpi sgt, %arg0, %sign3A : i32
    %sign3A_1 = arith.extui %sign3A_0 : i1 to i32
    %sign3A_2 = arith.constant 0 : i32
    %sign3A_3 = arith.cmpi slt, %arg0, %sign3A_2 : i32
    %sign3A_4 = arith.extui %sign3A_3 : i1 to i32
    %sign3A_5 = arith.subi %sign3A_1, %sign3A_4 : i32
    %sign3A_6 = arith.constant 0 : i32
    %sign3A_7 = arith.cmpi sgt, %jit3A, %sign3A_6 : i32
    %sign3A_8 = arith.extui %sign3A_7 : i1 to i32
    %sign3A_9 = arith.constant 0 : i32
    %sign3A_10 = arith.cmpi slt, %jit3A, %sign3A_9 : i32
    %sign3A_11 = arith.extui %sign3A_10 : i1 to i32
    %sign3A_12 = arith.subi %sign3A_8, %sign3A_11 : i32
    %ne3A = arith.cmpi ne, %sign3A_5, %sign3A_12 : i32
    %rem3A = arith.remsi %arg0, %jit3A : i32
    %ne3A_13 = arith.constant 0 : i32
    %ne3A_14 = arith.cmpi ne, %rem3A, %ne3A_13 : i32
    %and3A = arith.andi %ne3A, %ne3A_14 : i1
    %sub3A = arith.constant 1 : i32
    %sub3A_15 = arith.subi %div3A, %sub3A : i32
    %select_n3A = arith.select %and3A, %sub3A_15, %div3A : i32
    %mul3A = arith.constant 3 : i32
    %mul3A_16 = arith.muli %select_n3A, %mul3A : i32
    %add3A = arith.addi %arg0, %mul3A_16 : i32
    %c0_i32 = arith.constant 0 : i32
    %c0_i32_17 = arith.constant 0 : i32
    return %add3A, %c0_i32 : i32, i32
  }
  func.func @transform_2(%arg0: i32) -> (i32, i32) {
    %c0_i32 = arith.constant 0 : i32
    %c0_i32_0 = arith.constant 0 : i32
    return %arg0, %c0_i32 : i32, i32
  }
  func.func @transform_3(%arg0: i32) -> (i32, i32) {
    %c0_i32 = arith.constant 0 : i32
    %c0_i32_0 = arith.constant 0 : i32
    %c0_i32_1 = arith.constant 0 : i32
    return %c0_i32, %c0_i32_0 : i32, i32
  }
  func.func @transform_4(%arg0: i32) -> (i32, i32) {
    %c0_i32 = arith.constant 0 : i32
    %c0_i32_0 = arith.constant 0 : i32
    %c0_i32_1 = arith.constant 0 : i32
    return %c0_i32, %c0_i32_0 : i32, i32
  }
  func.func @transform_5(%arg0: i32) -> (i32, i32) {
    %c0_i32 = arith.constant 0 : i32
    %c0_i32_0 = arith.constant 0 : i32
    return %arg0, %c0_i32 : i32, i32
  }
}

</mosaic_0001>

<sc_bundles>
// kernel: kernel.5.cloned.1.call-start
scs
__scs_entry_jumppad:
0x0: {  	(pc) =	sbr.rel $0x88, $3  }
0x1: {  	(tag) =	ssettag $0x0;
	lr =	simm.s32 $0x1  }
0x2: {  	[smem:$0x3F98] =	sst lr;
	_ =	strace $0xD0000000  }
0x3: {  	_ = 	snop  }
0x4: {  	_ = 	snop  }
0x5: {  	_ = 	snop  }
0x6: {  	_ = 	snop  }
0x7: {  	_ = 	snop  }
__scs_overlays_trampoline_lowered:
0x8: {  	[smem:$0x3FA7] =	sst s0  }
0x9: {  	[smem:$0x3FA8] =	sst s1  }
0xa: {  	[smem:$0x3FA9] =	sst s2  }
0xb: {  	[smem:$0x3FAA] =	sst s3  }
0xc: {  	[smem:$0x3FAB] =	sst s4  }
0xd: {  	[smem:$0x3FAC] =	sst s5  }
0xe: {  	[smem:$0x3FAD] =	sst s6  }
0xf: {  	[smem:$0x3FAE] =	sst s7  }
0x10: {  	[smem:$0x3FAF] =	sst s8  }
0x11: {  	[smem:$0x3FB0] =	sst s9;
	s0 =	simm.s32 @!p0 $0x0  }
0x12: {  	s1 =	sld [smem:$0x3F96];
	s0 =	simm.s32 @p0 $0x1  }
0x13: {  	[smem:$0x3FB1] =	sst s0;
	s0 =	simm.s32 @!p1 $0x0  }
0x14: {  	s2 =	sld [smem:$0x3F95];
	s0 =	simm.s32 @p1 $0x1  }
0x15: {  	[smem:$0x3FB2] =	sst s0;
	s0 =	simm.s32 @!p2 $0x0  }
0x16: {  	s3 =	sld [smem:$0x3FDB];
	s0 =	simm.s32 @p2 $0x1  }
0x17: {  	s4 =	simm.s32 $0x1BF5;
	[smem:$0x3FB4] =	sst s0  }
0x18: {  	s0 =	sld [smem:$0x3F97];
	_ =	swait.ge [sflag:s4], $0x0  }
0x19: {  	s7 =	sld [smem:$0x3F98]  }
0x1a: {  	s8 =	sadd.s32 $0xFFFFE003, lr  }
0x1b: {  	s9 =	sadd.s32 $0xFFFFFEF7, lr;
	s5 =	simm.s32 $0xFFFFFFFF;
	p2 =	slt.u32 s8, $0xFFFFF086  }
0x1c: {  	p1 =	slt.u32 s9, $0xF7A;
	s5 =	simm.s32 @!p2 $0x0  }
0x1d: {  	s5 =	simm.s32 @p1 $0x1;
	p0 =	seq.s32 s7, s2  }
0x1e: {  	s7 =	smul.u32 @!p0 $0xF7A, s2;
	p2 =	seq.s32 @!p0 s5, $0x0  }
0x1f: {  	s9 =	smul.u32 $0xF7A, s1;
	s8 =	simm.s32 @!p0 $0x1BF5;
	p2 =	por !p2, p0  }
0x20: {  	[sflag:s8] =	ssyncset.s32 @!p0 $0xFFFFF086;
	s6 =	sadd.s32 @!p0 s3, s7;
	s7 =	simm.s32 @!p0 $0x108  }
0x21: {  	s3 =	sadd.s32 s3, s9;
	s6 =	sadd.s32 @!p0 $0x88, s6;
	s7 =	simm.s32 @p2 $0x1082  }
0x22: {  	[simem:s7], [sflag:s8] =	dma.local @!p0 [hbm:s6], $0xF7A  }
0x23: {  	s9 =	sor.u32 $0xD0000000, s2;
	s6 =	simm.s32 $0x108;
	_ =	swait.ge @!p0 [sflag:s8], $0x0  }
0x24: {  	s3 =	sadd.s32 $0x88, s3;
	s6 =	simm.s32 @!p1 $0x1082;
	[sflag:s4] =	ssyncset.s32 $0xFFFFF086  }
0x25: {  	[simem:s6], [sflag:s4] =	dma.local [hbm:s3], $0xF7A  }
0x26: {  	[smem:$0x3F98] =	sst s1;
	(tag) =	ssettag s2;
	_ =	strace s9  }
0x27: {  	s1 =	sld [smem:$0x3FA8]  }
0x28: {  	s2 =	sld [smem:$0x3FA9]  }
0x29: {  	s4 =	sld [smem:$0x3FAB]  }
0x2a: {  	p0 =	seq.s32 s5, $0x0;
	s5 =	sld [smem:$0x3FAC]  }
0x2b: {  	s6 =	sld [smem:$0x3FAD]  }
0x2c: {  	s7 =	sld [smem:$0x3FAE]  }
0x2d: {  	s3 =	simm.s32 $0x108;
	s8 =	sld [smem:$0x3FAF]  }
0x2e: {  	s3 =	simm.s32 @!p0 $0x1082;
	s9 =	sld [smem:$0x3FB0]  }
0x2f: {  	lr =	sadd.s32 s0, s3;
	s0 =	sld [smem:$0x3FA7]  }
0x30: {  	s3 =	sld [smem:$0x3FAA]  }
0x31: {  	[smem:$0x3FB3] =	sst s10  }
0x32: {  	s10 =	sld [smem:$0x3FB1];
	_ =	sdelay $0x3  }
0x33: {  	p0 =	seq.s32 s10, $0x1;
	s10 =	sld [smem:$0x3FB3];
	_ =	sdelay $0x3  }
0x34: {  	[smem:$0x3FB3] =	sst s10  }
0x35: {  	s10 =	sld [smem:$0x3FB2];
	_ =	sdelay $0x3  }
0x36: {  	p1 =	seq.s32 s10, $0x1;
	s10 =	sld [smem:$0x3FB3];
	_ =	sdelay $0x3  }
0x37: {  	[smem:$0x3FB3] =	sst s10  }
0x38: {  	s10 =	sld [smem:$0x3FB4]  }
0x39: {  	_ = 	snop;
	(pc) =	sbr.ind lr, $3  }
0x3a: {  	_ = 	snop  }
0x3b: {  	_ = 	snop  }
0x3c: {  	p2 =	seq.s32 s10, $0x1;
	s10 =	sld [smem:$0x3FB3]  }
0x3d: {  	_ =	shalt  }
0x3e: {  	_ =	shalt  }
0x3f: {  	_ =	shalt  }
0x40: {  	_ =	shalt  }
0x41: {  	_ =	shalt  }
0x42: {  	_ =	shalt  }
0x43: {  	_ =	shalt  }
0x44: {  	_ =	shalt  }
0x45: {  	_ =	shalt  }
0x46: {  	_ =	shalt  }
0x47: {  	_ =	shalt  }
0x48: {  	_ =	shalt  }
0x49: {  	_ =	shalt  }
0x4a: {  	_ =	shalt  }
0x4b: {  	_ =	shalt  }
0x4c: {  	_ =	shalt  }
0x4d: {  	_ =	shalt  }
0x4e: {  	_ =	shalt  }
0x4f: {  	_ =	shalt  }
0x50: {  	_ =	shalt  }
0x51: {  	_ =	shalt  }
0x52: {  	_ =	shalt  }
0x53: {  	_ =	shalt  }
0x54: {  	_ =	shalt  }
0x55: {  	_ =	shalt  }
0x56: {  	_ =	shalt  }
0x57: {  	_ =	shalt  }
0x58: {  	_ =	shalt  }
0x59: {  	_ =	shalt  }
0x5a: {  	_ =	shalt  }
0x5b: {  	_ =	shalt  }
0x5c: {  	_ =	shalt  }
0x5d: {  	_ =	shalt  }
0x5e: {  	_ =	shalt  }
0x5f: {  	_ =	shalt  }
0x60: {  	_ =	shalt  }
0x61: {  	_ =	shalt  }
0x62: {  	_ =	shalt  }
0x63: {  	_ =	shalt  }
0x64: {  	_ =	shalt  }
0x65: {  	_ =	shalt  }
0x66: {  	_ =	shalt  }
0x67: {  	_ =	shalt  }
0x68: {  	_ =	shalt  }
0x69: {  	_ =	shalt  }
0x6a: {  	_ =	shalt  }
0x6b: {  	_ =	shalt  }
0x6c: {  	_ =	shalt  }
0x6d: {  	_ =	shalt  }
0x6e: {  	_ =	shalt  }
0x6f: {  	_ =	shalt  }
0x70: {  	_ =	shalt  }
0x71: {  	_ =	shalt  }
0x72: {  	_ =	shalt  }
0x73: {  	_ =	shalt  }
0x74: {  	_ =	shalt  }
0x75: {  	_ =	shalt  }
0x76: {  	_ =	shalt  }
0x77: {  	_ =	shalt  }
0x78: {  	_ =	shalt  }
0x79: {  	_ =	shalt  }
0x7a: {  	_ =	shalt  }
0x7b: {  	_ =	shalt  }
0x7c: {  	_ =	shalt  }
0x7d: {  	_ =	shalt  }
0x7e: {  	_ =	shalt  }
0x7f: {  	_ =	shalt  }
0x80: {  	_ =	shalt  }
0x81: {  	_ =	shalt  }
0x82: {  	_ =	shalt  }
0x83: {  	_ =	shalt  }
0x84: {  	_ =	shalt  }
0x85: {  	_ =	shalt  }
0x86: {  	_ =	shalt  }
0x87: {  	_ =	shalt  }
.Lfunc_end0:
.L_simem_size_0:
called_computation_lowered:
.L_overlay_start_0:
0x88: {  	s2 =	sld [smem:$0x3FD9]  }
0x89: {  	s3 =	sld [smem:$0x3FFE];
	_ =	sdelay $0x1  }
0x8a: {  	s1 =	srdreg.scid  }
0x8b: {  	s0 =	sand.u32 $0x1, s1  }
0x8c: {  	s17 =	sshll.u32 s0, $0xA;
	s2 =	sadd.s32 s3, s2  }
0x8d: {  	s2 =	sadd.s32 s2, s17  }
0x8e: {  	[smem:$0x3FBF] =	sst s2  }
0x8f: {  	_ = 	snop  }
0x90: {  	s2 =	sld [smem:$0x3FD0];
	(tm) =	ssettm $0x1  }
0x91: {  	s18 =	sld [smem:$0x3FFB];
	_ =	sdelay $0x3  }
0x92: {  	_ =	strace s18  }
0x93: {  	s3 =	sld [smem:$0x3FFC];
	_ =	sdelay $0x3  }
0x94: {  	_ =	strace s3  }
0x95: {  	s3 =	sld [smem:$0x3FFD];
	_ =	sdelay $0x3  }
0x96: {  	_ =	strace s3  }
0x97: {  	_ =	strace $0x8FFFFFFF  }
0x98: {  	s19 =	sld [smem:$0x3FDB];
	_ =	sdelay $0x1  }
0x99: {  	s4 =	simm.s32 $_scs_section_size  }
0x9a: {  	s5 =	simm.s32 $_size__tile_overlayer_lowered;
	s6 =	simm.s32 $_tile_overlayer_lowered  }
0x9b: {  	s22 =	simm.s32 $0x1BFF;
	s21 =	sshll.u32 s6, $0x1;
	s3 =	sadd.s32 s4, s19  }
0x9c: {  	s7 =	simm.s32 $0x0;
	s20 =	sshll.u32 s5, $0x1;
	s5 =	sadd.s32 s21, s3  }
0x9d: {  	[timem:s7], [sflag:s22] =	dma.local [hbm:s5], s20  }
0x9e: {  	_ =	swait.ge [sflag:s22], s20  }
0x9f: {  	s4 =	ssub.s32 $0x0, s20;
	[sflag:s22] =	ssyncset.done $0x0  }
0xa0: {  	[sflag:s22] =	ssyncadd.s32 s4;
	_ =	sdelay $0x1  }
0xa1: {  	s23 =	simm.s32 $0x1B8B  }
0xa2: {  	_ =	swait.ge [sflag:s23], $0x1  }
0xa3: {  	[sflag:s23] =	ssyncset.done $0x0  }
0xa4: {  	s25 =	simm.s32 $0x1B8E;
	s24 =	sld [smem:$0x3FFE];
	[sflag:s23] =	ssyncadd.s32 $0xFFFFFFFF  }
0xa5: {  	s26 =	simm.s32 $execute0_lowered;
	[smem:$0x3FD2] =	sst s25  }
0xa6: {  	s5 =	sshll.u32 s26, $0x1;
	_ =	strace $0x80000046;
	[dreg:$0x1] =	wrdreg $0xFFFFFFFF  }
0xa7: {  	s28 =	simm.s32 $_size_execute0_lowered;
	s3 =	sadd.s32 s3, s5;
	[dreg:$0x0] =	wrdreg $0x0  }
0xa8: {  	s5 =	sshll.u32 s28, $0x1;
	[dreg:$0x2] =	wrdreg s3  }
0xa9: {  	[dreg:$0x3] =	wrdreg s5  }
0xaa: {  	[dreg:$0x4] =	wrdreg $0xC0  }
0xab: {  	_ =	task [dreg:s7], $0x5FFFF  }
0xac: {  	[dreg:$0x1] =	wrdreg $0xFFFFFFFF  }
0xad: {  	[dreg:$0x0] =	wrdreg $0x60  }
0xae: {  	[dreg:$0x2] =	wrdreg s2  }
0xaf: {  	[dreg:$0x3] =	wrdreg s24  }
0xb0: {  	[dreg:$0x4] =	wrdreg $0xB4000  }
0xb1: {  	[dreg:$0x5] =	wrdreg $0x9  }
0xb2: {  	_ =	task.clear_ibuf [dreg:s7], $0x6FFFF;
	_ =	strace $0x90000046  }
0xb3: {  	s29 =	simm.s32 $0x9;
	_ =	strace $0x80000048  }
0xb4: {  	_ =	swait.ge [sflag:s29], $0x1  }
0xb5: {  	[sflag:s29] =	ssyncadd.s32 $0xFFFFFFFF  }
0xb6: {  	_ =	strace $0x90000048  }
0xb7: {  	_ =	sfence  }
0xb8: {  	s30 =	sld [smem:$0x0];
	_ =	sdelay $0x2  }
0xb9: {  	s31 =	sshll.u32 s1, $0xD;
	s1 =	sshrl.u32 s1, $0x2  }
0xba: {  	s3 =	sand.u32 $0x4000, s31;
	s1 =	sadd.s32 s1, s30  }
0xbb: {  	s0 =	sor.u32 s3, s0;
	s1 =	sshll.u32 s1, $0x11  }
0xbc: {  	s0 =	sor.u32 s1, s0  }
0xbd: {  	s0 =	sadd.s32 $0x8F2B, s0  }
0xbe: {  	[sflag:s0] =	ssyncadd.remote.s32 $0x1  }
0xbf: {  	_ =	sfence.sel $0xFFFF  }
0xc0: {  	[dreg:$0x0] =	wrdreg $0xFFFFFFFF;
	(pc) =	sbr.abs _section_cstart, $3  }
0xc1: {  	[dreg:$0x1] =	wrdreg $0xFFFFFFFF  }
0xc2: {  	_ =	task.clear_ibuf [dreg:s7], $0x2FFFF;
	_ =	strace $0x9FFFFFFF  }
0xc3: {  	(tm) =	ssettm $0x7FFFFFFF  }
tec
execute0_lowered:
.L_overlay_start_1:
0x0: {  	(tag) =	ssettag $0x1  }
0x1: {  	s8 =	rddreg [dreg:$0x0];
	s1 =	srdreg.scid  }
0x2: {  	s0 =	stileid.u32;
	s4 =	rddreg [dreg:$0x1]  }
0x3: {  	s2 =	rddreg [dreg:$0x2];
	s3 =	simm.s32 $0x0;
	s16 =	simm.s32 $0x80  }
0x4: {  	s17 =	simm.s32 $0x3400;
	s18 =	simm.s32 $0x7400;
	s19 =	simm.s32 $0x1  }
0x5: {  	s20 =	simm.s32 $0x2;
	s21 =	simm.s32 $0x3;
	s22 =	simm.s32 $0x4  }
0x6: {  	s23 =	simm.s32 $0x0;
	s5 =	sand.u32 $0x1, s1;
	s7 =	smul.u32 $0x32000, s0  }
0x7: {  	s25 =	sshll.u32 s0, $0x1;
	s1 =	rddreg [dreg:$0x3];
	s10 =	smul.u32 $0x4E000, s0  }
0x8: {  	[smem:$0x7FF] =	sst s3;
	s12 =	smul.u32 $0x13800, s0;
	s15 =	sadd.s32 $0x138000, s2  }
0x9: {  	p0 =	sne.s32 s0, $0xF;
	s31 =	sshll.u32 s0, $0x6;
	s6 =	sor.u32 s5, s25  }
0xa: {  	_ =	strace $0x80000047;
	s9 =	ssub.s32 $0x2, s5;
	s29 =	smul.u32 $0x19000, s5  }
0xb: {  	s15 =	sshrl.u32 @!p0 s15, $0x3;
	s6 =	smul.u32 $0x680, s6;
	s11 =	sshrl.u32 s9, $0x1  }
0xc: {  	s13 =	sadd.s32 s7, s4;
	s26 =	sshrl.u32 s10, $0x2;
	s28 =	sshrl.u32 s12, $0x3  }
0xd: {  	s12 =	simm.s32 $0x5;
	s9 =	ssub.s32 s9, s11;
	s14 =	sadd.s32 s26, s2  }
0xe: {  	s5 =	sadd.s32 s8, s28;
	s30 =	sadd.s32 s29, s13;
	s13 =	sor.u32 $0x1C05, s31  }
0xf: {  	s6 =	sadd.s32 s6, s4;
	s7 =	sadd.s32 $0x27100, s5;
	s9 =	smax.u32 s9, $0x1  }
0x10: {  	s10 =	sadd.s32 $0x5C200, s30;
	s11 =	sadd.s32 $0x5CA00, s30;
	s14 =	sshrl.u32 s14, $0x3  }
0x11: {  	s4 =	sadd.s32 $0x1000, s6;
	s6 =	sadd.s32 $0x27000, s8;
	s8 =	sadd.s32 $0x4E100, s8  }
.LBB2_1:
0x12: {  	[tilespmem:s3], [sflag:$0x5] =	stream.linear.gather [hbm4b:s4+s3], $0x3200, $0x38;
	[tilespmem:$0x1EC80] =	vst v63  }
0x13: {  	_ =	swait.ge [sflag:s12], $0x3200  }
0x14: {  	[sflag:s12] =	ssyncset.done $0x0  }
0x15: {  	[sflag:s12] =	ssyncadd.s32 $0xFFFFCE00  }
0x16: {  	[spmem:s14], [sflag:s13] =	dma.local [hbm:s5], $0x2700  }
0x17: {  	_ =	swait.ge [sflag:s12], $0x2700  }
0x18: {  	[sflag:s12] =	ssyncset.done $0x0  }
0x19: {  	s24 =	simm.s32 @!p0 $0x5;
	[sflag:s12] =	ssyncadd.s32 $0xFFFFD900  }
0x1a: {  	[spmem:s15], [sflag:s13] =	dma.local @!p0 [hbm:s6], $0x100  }
0x1b: {  	_ =	swait.ge @!p0 [sflag:s24], $0x100  }
0x1c: {  	[sflag:s24] =	ssyncset.done @!p0 $0x0  }
0x1d: {  	[sflag:s24] =	ssyncadd.s32 @!p0 $0xFFFFFF00  }
0x1e: {  	s29 =	simm.s32 $0x0;
	[bflag:$0x0] =	sbarrier.arrive $0xFFFF  }
0x1f: {  	[tilespmem:s17], [sflag:$0x1] =	stream.indirect.gather [spmem:s2], $0x80, s29, s16, $0xb8;
	[tilespmem:$0x1EC80] =	vst v63  }
0x20: {  	s30 =	simm.s32 $0x80  }
0x21: {  	[tilespmem:s18], [sflag:$0x2] =	stream.indirect.gather [spmem:s2], $0x80, s30, s16, $0xb8;
	[tilespmem:$0x1EC80] =	vst v63  }
0x22: {  	_ =	swait.ge [sflag:s19], $0x4000  }
0x23: {  	[sflag:s19] =	ssyncset.done $0x0  }
0x24: {  	s31 =	sadd.s32 $0xFFFFF800, s11;
	[sflag:s19] =	ssyncadd.s32 $0xFFFFC000  }
0x25: {  	[hbm4b:s31+s3] =	stream.linear.scatter [tilespmem:s17], [sflag:$0x3], $0x4000, $0x38;
	[tilespmem:$0x1EC80] =	vst v63  }
0x26: {  	_ =	swait.ge [sflag:s20], $0x4000  }
0x27: {  	[sflag:s20] =	ssyncset.done $0x0  }
0x28: {  	[sflag:s20] =	ssyncadd.s32 $0xFFFFC000  }
0x29: {  	[hbm4b:s11+s3] =	stream.linear.scatter [tilespmem:s18], [sflag:$0x4], $0x4000, $0x38;
	[tilespmem:$0x1EC80] =	vst v63  }
0x2a: {  	_ =	swait.ge [sflag:s21], $0x4000  }
0x2b: {  	[sflag:s21] =	ssyncset.done $0x0  }
0x2c: {  	[sflag:s21] =	ssyncadd.s32 $0xFFFFC000  }
0x2d: {  	s25 =	simm.s32 $0x400;
	_ =	swait.ge [sflag:s22], $0x4000  }
0x2e: {  	s26 =	simm.s32 $0x800;
	s24 =	sadd.s32 $0x1000, s11;
	[sflag:s22] =	ssyncset.done $0x0  }
.LBB2_2:
0x2f: {  	s28 =	sshra.s32 s25, $0x2  }
0x30: {  	[sflag:s22] =	ssyncadd.s32 $0xFFFFC000;
	s25 =	smov.u32 s26;
	s29 =	sadd.s32 $0x400, s26  }
0x31: {  	[tilespmem:s17], [sflag:$0x1] =	stream.indirect.gather [spmem:s2], $0x80, s28, s16, $0xb8;
	[tilespmem:$0x1EC80] =	vst v63  }
0x32: {  	p1 =	sne.s32 s26, $0x6000;
	s26 =	sadd.s32 $0x80, s28  }
0x33: {  	[tilespmem:s18], [sflag:$0x2] =	stream.indirect.gather [spmem:s2], $0x80, s26, s16, $0xb8;
	[tilespmem:$0x1EC80] =	vst v63  }
0x34: {  	_ =	swait.ge [sflag:s19], $0x4000  }
0x35: {  	[sflag:s19] =	ssyncset.done $0x0  }
0x36: {  	s26 =	sadd.s32 $0xFFFFF800, s24;
	[sflag:s19] =	ssyncadd.s32 $0xFFFFC000  }
0x37: {  	[hbm4b:s26+s3] =	stream.linear.scatter [tilespmem:s17], [sflag:$0x3], $0x4000, $0x38;
	[tilespmem:$0x1EC80] =	vst v63  }
0x38: {  	_ =	swait.ge [sflag:s20], $0x4000  }
0x39: {  	[sflag:s20] =	ssyncset.done $0x0  }
0x3a: {  	[sflag:s20] =	ssyncadd.s32 $0xFFFFC000  }
0x3b: {  	[hbm4b:s24+s3] =	stream.linear.scatter [tilespmem:s18], [sflag:$0x4], $0x4000, $0x38;
	[tilespmem:$0x1EC80] =	vst v63  }
.Ltmp0:
0x3c: {  	_ =	swait.ge [sflag:s21], $0x4000;
	(pc) =	sbr.rel @p1 .LBB2_2-.Ltmp0, $4  }
0x3d: {  	[sflag:s21] =	ssyncset.done $0x0  }
0x3e: {  	[sflag:s21] =	ssyncadd.s32 $0xFFFFC000  }
0x3f: {  	_ =	swait.ge [sflag:s22], $0x4000  }
0x40: {  	s26 =	smov.u32 s29;
	s24 =	sadd.s32 $0x1000, s24;
	[sflag:s22] =	ssyncset.done $0x0  }
0x41: {  	s25 =	sshra.s32 s25, $0x2;
	[sflag:s22] =	ssyncadd.s32 $0xFFFFC000  }
0x42: {  	[tilespmem:s17], [sflag:$0x1] =	stream.indirect.gather [spmem:s2], $0x80, s25, s16, $0xb8;
	[tilespmem:$0x1EC80] =	vst v63  }
0x43: {  	s25 =	sadd.s32 $0x80, s25  }
0x44: {  	[tilespmem:s18], [sflag:$0x2] =	stream.indirect.gather [spmem:s2], $0x80, s25, s16, $0xb8;
	[tilespmem:$0x1EC80] =	vst v63  }
0x45: {  	_ =	swait.ge [sflag:s19], $0x4000  }
0x46: {  	[sflag:s19] =	ssyncset.done $0x0  }
0x47: {  	s26 =	sadd.s32 $0xFFFFF800, s24;
	[sflag:s19] =	ssyncadd.s32 $0xFFFFC000  }
0x48: {  	[hbm4b:s26+s3] =	stream.linear.scatter [tilespmem:s17], [sflag:$0x3], $0x4000, $0x38;
	[tilespmem:$0x1EC80] =	vst v63  }
0x49: {  	_ =	swait.ge [sflag:s20], $0x4000  }
0x4a: {  	[sflag:s20] =	ssyncset.done $0x0  }
0x4b: {  	[sflag:s20] =	ssyncadd.s32 $0xFFFFC000  }
0x4c: {  	[hbm4b:s24+s3] =	stream.linear.scatter [tilespmem:s18], [sflag:$0x4], $0x4000, $0x38;
	[tilespmem:$0x1EC80] =	vst v63  }
0x4d: {  	_ =	swait.ge [sflag:s21], $0x4000  }
0x4e: {  	[sflag:s21] =	ssyncset.done $0x0  }
0x4f: {  	[sflag:s21] =	ssyncadd.s32 $0xFFFFC000  }
0x50: {  	_ =	swait.ge [sflag:s22], $0x4000  }
0x51: {  	[sflag:s22] =	ssyncset.done $0x0  }
0x52: {  	[sflag:s22] =	ssyncadd.s32 $0xFFFFC000  }
0x53: {  	[bflag:$0x0] =	sbarrier.arrive $0xFFFF  }
0x54: {  	[spmem:s14], [sflag:s13] =	dma.local [hbm:s7], $0x2700  }
0x55: {  	_ =	swait.ge [sflag:s12], $0x2700  }
0x56: {  	[sflag:s12] =	ssyncset.done $0x0  }
0x57: {  	s24 =	simm.s32 @!p0 $0x5;
	[sflag:s12] =	ssyncadd.s32 $0xFFFFD900  }
0x58: {  	[spmem:s15], [sflag:s13] =	dma.local @!p0 [hbm:s8], $0x100  }
0x59: {  	_ =	swait.ge @!p0 [sflag:s24], $0x100  }
0x5a: {  	[sflag:s24] =	ssyncset.done @!p0 $0x0  }
0x5b: {  	[sflag:s24] =	ssyncadd.s32 @!p0 $0xFFFFFF00  }
0x5c: {  	s28 =	simm.s32 $0x1900;
	[bflag:$0x0] =	sbarrier.arrive $0xFFFF  }
0x5d: {  	[tilespmem:s17], [sflag:$0x1] =	stream.indirect.gather [spmem:s2], $0x80, s28, s16, $0xb8;
	[tilespmem:$0x1EC80] =	vst v63  }
0x5e: {  	s29 =	simm.s32 $0x1980  }
0x5f: {  	[tilespmem:s18], [sflag:$0x2] =	stream.indirect.gather [spmem:s2], $0x80, s29, s16, $0xb8;
	[tilespmem:$0x1EC80] =	vst v63  }
0x60: {  	_ =	swait.ge [sflag:s19], $0x4000  }
0x61: {  	s30 =	sadd.s32 $0x0, s10;
	[sflag:s19] =	ssyncset.done $0x0  }
0x62: {  	s31 =	sadd.s32 $0x320000, s30;
	[sflag:s19] =	ssyncadd.s32 $0xFFFFC000  }
0x63: {  	[hbm4b:s31+s3] =	stream.linear.scatter [tilespmem:s17], [sflag:$0x3], $0x4000, $0x38;
	[tilespmem:$0x1EC80] =	vst v63  }
0x64: {  	_ =	swait.ge [sflag:s20], $0x4000  }
0x65: {  	[sflag:s20] =	ssyncset.done $0x0  }
0x66: {  	s24 =	sadd.s32 $0x320800, s30;
	[sflag:s20] =	ssyncadd.s32 $0xFFFFC000  }
0x67: {  	[hbm4b:s24+s3] =	stream.linear.scatter [tilespmem:s18], [sflag:$0x4], $0x4000, $0x38;
	[tilespmem:$0x1EC80] =	vst v63  }
0x68: {  	_ =	swait.ge [sflag:s21], $0x4000  }
0x69: {  	[sflag:s21] =	ssyncset.done $0x0  }
0x6a: {  	[sflag:s21] =	ssyncadd.s32 $0xFFFFC000  }
0x6b: {  	s25 =	simm.s32 $0x1A80;
	_ =	swait.ge [sflag:s22], $0x4000  }
0x6c: {  	s26 =	simm.s32 $0x2000;
	s24 =	simm.s32 $0x1000;
	[sflag:s22] =	ssyncset.done $0x0  }
.LBB2_4:
0x6d: {  	p1 =	sne.s32 s26, $0x18000;
	s28 =	sadd.s32 $0xFFFFFF80, s25;
	[sflag:s22] =	ssyncadd.s32 $0xFFFFC000  }
0x6e: {  	[tilespmem:s17], [sflag:$0x1] =	stream.indirect.gather [spmem:s2], $0x80, s28, s16, $0xb8;
	[tilespmem:$0x1EC80] =	vst v63  }
0x6f: {  	s28 =	smov.u32 s26;
	s26 =	sadd.s32 $0x1000, s26  }
0x70: {  	[tilespmem:s18], [sflag:$0x2] =	stream.indirect.gather [spmem:s2], $0x80, s25, s16, $0xb8;
	[tilespmem:$0x1EC80] =	vst v63  }
0x71: {  	_ =	swait.ge [sflag:s19], $0x4000  }
0x72: {  	s29 =	sadd.s32 s24, s10;
	s24 =	smov.u32 s28;
	[sflag:s19] =	ssyncset.done $0x0  }
0x73: {  	s28 =	sadd.s32 $0x320000, s29;
	[sflag:s19] =	ssyncadd.s32 $0xFFFFC000  }
0x74: {  	[hbm4b:s28+s3] =	stream.linear.scatter [tilespmem:s17], [sflag:$0x3], $0x4000, $0x38;
	[tilespmem:$0x1EC80] =	vst v63  }
0x75: {  	_ =	swait.ge [sflag:s20], $0x4000  }
0x76: {  	[sflag:s20] =	ssyncset.done $0x0  }
0x77: {  	s28 =	sadd.s32 $0x320800, s29;
	[sflag:s20] =	ssyncadd.s32 $0xFFFFC000  }
0x78: {  	[hbm4b:s28+s3] =	stream.linear.scatter [tilespmem:s18], [sflag:$0x4], $0x4000, $0x38;
	[tilespmem:$0x1EC80] =	vst v63  }
.Ltmp1:
0x79: {  	_ =	swait.ge [sflag:s21], $0x4000;
	(pc) =	sbr.rel @p1 .LBB2_4-.Ltmp1, $4  }
0x7a: {  	[sflag:s21] =	ssyncset.done $0x0  }
0x7b: {  	[sflag:s21] =	ssyncadd.s32 $0xFFFFC000  }
0x7c: {  	_ =	swait.ge [sflag:s22], $0x4000  }
0x7d: {  	s25 =	sadd.s32 $0x100, s25;
	[sflag:s22] =	ssyncset.done $0x0  }
0x7e: {  	s26 =	sadd.s32 $0xFFFFFF80, s25;
	[sflag:s22] =	ssyncadd.s32 $0xFFFFC000  }
0x7f: {  	[tilespmem:s17], [sflag:$0x1] =	stream.indirect.gather [spmem:s2], $0x80, s26, s16, $0xb8;
	[tilespmem:$0x1EC80] =	vst v63  }
0x80: {  	_ = 	snop  }
0x81: {  	[tilespmem:s18], [sflag:$0x2] =	stream.indirect.gather [spmem:s2], $0x80, s25, s16, $0xb8;
	[tilespmem:$0x1EC80] =	vst v63  }
0x82: {  	_ =	swait.ge [sflag:s19], $0x4000  }
0x83: {  	s24 =	sadd.s32 s24, s10;
	[sflag:s19] =	ssyncset.done $0x0  }
0x84: {  	s31 =	sadd.s32 $0x320000, s24;
	[sflag:s19] =	ssyncadd.s32 $0xFFFFC000  }
0x85: {  	[hbm4b:s31+s3] =	stream.linear.scatter [tilespmem:s17], [sflag:$0x3], $0x4000, $0x38;
	[tilespmem:$0x1EC80] =	vst v63  }
0x86: {  	_ =	swait.ge [sflag:s20], $0x4000  }
0x87: {  	[sflag:s20] =	ssyncset.done $0x0  }
0x88: {  	s24 =	sadd.s32 $0x320800, s24;
	[sflag:s20] =	ssyncadd.s32 $0xFFFFC000  }
0x89: {  	[hbm4b:s24+s3] =	stream.linear.scatter [tilespmem:s18], [sflag:$0x4], $0x4000, $0x38;
	[tilespmem:$0x1EC80] =	vst v63  }
0x8a: {  	_ =	swait.ge [sflag:s21], $0x4000  }
0x8b: {  	s23 =	sadd.s32 $0x1, s23;
	[sflag:s21] =	ssyncset.done $0x0  }
0x8c: {  	p1 =	sne.s32 s23, s9;
	[sflag:s21] =	ssyncadd.s32 $0xFFFFC000  }
.Ltmp2:
0x8d: {  	_ =	swait.ge [sflag:s22], $0x4000;
	(pc) =	sbr.rel @p1 .LBB2_1-.Ltmp2, $3  }
0x8e: {  	[sflag:s22] =	ssyncset.done $0x0  }
0x8f: {  	[sflag:s22] =	ssyncadd.s32 $0xFFFFC000  }
0x90: {  	[bflag:$0x0] =	sbarrier.arrive $0xFFFF;
	_ =	sdelay $0x1  }
0x91: {  	_ =	sfence.sel $0x180000  }
0x92: {  	[bflag:$0x0] =	sbarrier.arrive $0xFFFF  }
0x93: {  	p0 =	sne.s32 s0, $0x0;
	_ =	strace $0x90000047  }
0x94: {  	s0 =	sadd.s32 @!p0 $0x100000, s1;
	[bflag:$0x2] =	sbarrier.arrive $0xFFFF  }
0x95: {  	[sflag:s0] =	ssyncadd.tile.s32 @!p0 $0x1;
	_ =	shalt  }
.Lfunc_end2:
_tile_overlayer_lowered:
.L_overlay_start_2:
0x96: {  	(tag) =	ssettag $0x2  }
0x97: {  	s0 =	rddreg [dreg:$0x0];
	s2 =	stileid.u32  }
0x98: {  	s1 =	rddreg [dreg:$0x1];
	p0 =	sne.s32 s2, $0x0  }
0x99: {  	s3 =	rddreg [dreg:$0x2];
	[bflag:$0x3] =	sbarrier.arrive $0xFFFF;
	s2 =	simm.s32 @!p0 $0x1C05  }
0x9a: {  	[timem:s3], [sflag:s2] =	dma.local @!p0 [hbm:s0], s1  }
0x9b: {  	s0 =	simm.s32 @!p0 $0x5  }
0x9c: {  	_ =	swait.ge @!p0 [sflag:s0], s1  }
0x9d: {  	s1 =	ssub.s32 @!p0 $0x0, s1;
	[sflag:s0] =	ssyncset.done @!p0 $0x0  }
0x9e: {  	[sflag:s0] =	ssyncadd.s32 @!p0 s1  }
0x9f: {  	[bflag:$0x3] =	sbarrier.arrive $0xFFFF  }
0xa0: {  	_ =	shalt  }

</sc_bundles>
